<compile_context>
chip_gen: v7x
topology: tpu7x:2x2x1
jax: 0.10.2.dev20260603
libtpu: 0.0.44.dev20260713+nightly
codegen_flags: <defaults>
</compile_context>

<pallas_src>
import jax
import jax.numpy as jnp
from jax import lax
from jax.experimental import pallas as pl
from jax.experimental.pallas import tpu as pltpu
from jax.experimental.pallas import tpu_sc as plsc

_B, _N, _M = 16, 500, 64
_L = 16
_NCHUNK = _N // _L
_TAIL = _N - _NCHUNK * _L
_TBASE = _N - _L


def _sc_body(x_hbm, pb_hbm, tb_hbm, lab_hbm, src_hbm, tgt_hbm,
             part_hbm, out_hbm,
             xv, zv, pbv, tbv, labv, srcv, tgtv, accv, allv, outv, sem):
    sid = lax.axis_index("s")
    row = sid
    zero = jnp.zeros((_L,), jnp.float32)
    lane = lax.iota(jnp.int32, _L)

    cps = [
        pltpu.async_copy(src_hbm.at[row], srcv, sem),
        pltpu.async_copy(tgt_hbm.at[row], tgtv, sem),
        pltpu.async_copy(x_hbm.at[row], xv, sem),
        pltpu.async_copy(lab_hbm.at[row], labv, sem),
    ]
    cps += [pltpu.async_copy(pb_hbm.at[c, pl.ds(row, 1)], pbv.at[c], sem)
            for c in range(3)]
    cps += [pltpu.async_copy(tb_hbm.at[c, pl.ds(row, 1)], tbv.at[c], sem)
            for c in range(3)]

    def zfill(k, _):
        zv[pl.ds(k * _L, _L)] = zero
        return 0
    lax.fori_loop(0, _N // _L + 1, zfill, 0, unroll=False)

    for cp in cps:
        cp.wait()

    for k in range(_M // _L):
        svec = srcv[pl.ds(k * _L, _L)]
        tvec = tgtv[pl.ds(k * _L, _L)]
        lab = plsc.load_gather(labv, [tvec]).astype(jnp.float32)
        plsc.store_scatter(zv, [svec], lab)

    def bce(x, z):
        u = jnp.exp(-jnp.abs(x))
        s = u / (u + 2.0)
        s2 = s * s
        lg = s * (2.0 + s2 * (2.0 / 3.0 + s2 * (2.0 / 5.0 + s2 * (2.0 / 7.0))))
        return jnp.maximum(x, 0.0) - x * z + lg

    def step(k, acc):
        return acc + bce(xv[0, pl.ds(k * _L, _L)], zv[pl.ds(k * _L, _L)])
    acc_ce = lax.fori_loop(0, _NCHUNK, step, zero, unroll=False)
    tail = bce(xv[0, pl.ds(_TBASE, _L)], zv[pl.ds(_TBASE, _L)])
    acc_ce = acc_ce + jnp.where(lane >= _L - _TAIL, tail, 0.0)

    acc_bb = zero
    zvec = jnp.zeros((_L,), jnp.int32)
    for k in range(_M // _L):
        svec = srcv[pl.ds(k * _L, _L)]
        tvec = tgtv[pl.ds(k * _L, _L)]
        for c in range(3):
            cvec = jnp.full((_L,), c, jnp.int32)
            sp = plsc.load_gather(pbv, [cvec, zvec, svec])
            tp = plsc.load_gather(tbv, [cvec, zvec, tvec])
            acc_bb = acc_bb + jnp.abs(sp - tp)

    accv[0, :] = acc_ce
    accv[1, :] = acc_bb
    pltpu.sync_copy(accv, part_hbm.at[sid])
    plsc.subcore_barrier()

    @pl.when(sid == 0)
    def _():
        pltpu.sync_copy(part_hbm, allv)

        def red(s_, carry):
            ce, bb = carry
            return (ce + allv[s_, 0, :], bb + allv[s_, 1, :])
        ce, bb = lax.fori_loop(0, _B, red, (zero, zero), unroll=False)
        loss_ce = jnp.sum(ce) * (1.0 / (_B * _N))
        loss_bb = jnp.sum(bb) * (1.0 / (_B * _M))
        outv[...] = jnp.where(lane == 0, loss_ce,
                              jnp.where(lane == 1, loss_bb, 0.0))
        pltpu.sync_copy(outv, out_hbm)


_SCRATCH = [
    pltpu.VMEM((1, _N), jnp.float32),
    pltpu.VMEM((_N + _L,), jnp.float32),
    pltpu.VMEM((3, 1, _N), jnp.float32),
    pltpu.VMEM((3, 1, _M), jnp.float32),
    pltpu.VMEM((_M,), jnp.int32),
    pltpu.VMEM((_M,), jnp.int32),
    pltpu.VMEM((_M,), jnp.int32),
    pltpu.VMEM((2, _L), jnp.float32),
    pltpu.VMEM((_B, 2, _L), jnp.float32),
    pltpu.VMEM((_L,), jnp.float32),
    pltpu.SemaphoreType.DMA,
]


def _make_kernel():
    return pl.kernel(
        _sc_body,
        out_type=(jax.ShapeDtypeStruct((_B, 2, _L), jnp.float32),
                  jax.ShapeDtypeStruct((_L,), jnp.float32)),
        mesh=plsc.VectorSubcoreMesh(
            core_axis_name="c", subcore_axis_name="s",
            num_cores=1, num_subcores=16),
        scratch_types=_SCRATCH,
        compiler_params=pltpu.CompilerParams(needs_layout_passes=False),
    )


def kernel(pred_logits, pred_boxes, tgt_boxes, tgt_labels, src_idx, tgt_idx):
    xT = jnp.transpose(pred_logits.astype(jnp.float32), (0, 2, 1))
    _, out = _make_kernel()(
        xT,
        jnp.transpose(pred_boxes.astype(jnp.float32), (2, 0, 1)),
        jnp.transpose(tgt_boxes.astype(jnp.float32), (2, 0, 1)),
        tgt_labels.astype(jnp.int32),
        src_idx.astype(jnp.int32),
        tgt_idx.astype(jnp.int32),
    )
    return (out[0], out[1])

# --- scband reference (transcript-rebuilt; emitter-appended) ---
"""Pipeline reference for scband-set-criterion-75127567941901 (READ-ONLY COPY).

The authoritative reference and input builder live on the scoring server;
editing this copy changes nothing except your own understanding.
"""

import jax, jax.numpy as jnp
import numpy as np

B, N, M = 16, 500, 64


def setup_inputs(seed: int = 0) -> dict:
    key = jax.random.key(seed)
    k1, k2, k3, k4, k5, k6 = jax.random.split(key, 6)
    pred_logits = jax.random.normal(k1, (B, N, 1), dtype=jnp.float32)
    pred_boxes = jax.random.uniform(k2, (B, N, 3), dtype=jnp.float32)
    tgt_boxes = jax.random.uniform(k3, (B, M, 3), dtype=jnp.float32)
    tgt_labels = jax.random.randint(k4, (B, M), 0, 2)
    src_idx = jax.random.randint(k5, (B, M), 0, N)
    tgt_idx = jax.random.randint(k6, (B, M), 0, M)
    return {
        'pred_logits': pred_logits,
        'pred_boxes': pred_boxes,
        'tgt_boxes': tgt_boxes,
        'tgt_labels': tgt_labels,
        'src_idx': src_idx,
        'tgt_idx': tgt_idx,
    }


def reference(pred_logits, pred_boxes, tgt_boxes, tgt_labels, src_idx, tgt_idx):
    # Matching indices (src_idx, tgt_idx) are precomputed (the torch matcher uses
    # scipy's Hungarian algorithm and is non-differentiable / data-dependent).
    b, n = pred_logits.shape[0], pred_logits.shape[1]
    m = src_idx.shape[1]
    src_logits = jnp.squeeze(pred_logits, axis=-1)  # [B, N]

    # _get_src_permutation_idx
    batch_idx = jnp.repeat(jnp.arange(b), m)          # [B*M]
    src_flat = src_idx.reshape(-1)                    # [B*M]

    # loss_labels: scatter matched target classes into zeros, BCE-with-logits mean
    labels_g = jnp.take_along_axis(tgt_labels, tgt_idx, axis=1).reshape(-1).astype(jnp.float32)
    target_classes = jnp.zeros((b, n), dtype=jnp.float32).at[batch_idx, src_flat].set(labels_g)
    x = src_logits
    z = target_classes
    # numerically stable binary_cross_entropy_with_logits
    loss_ce = jnp.mean(jnp.maximum(x, 0.0) - x * z + jnp.log1p(jnp.exp(-jnp.abs(x))))

    # loss_boxes: gather matched predictions / targets, L1 sum / num_boxes
    src_boxes = pred_boxes[batch_idx, src_flat]                                   # [B*M, 3]
    tgt_g = jnp.take_along_axis(tgt_boxes, tgt_idx[..., None], axis=1).reshape(-1, 3)
    num_boxes = jnp.asarray(b * m, dtype=jnp.float32)
    loss_bbox = jnp.sum(jnp.abs(src_boxes - tgt_g)) / num_boxes

    return (loss_ce, loss_bbox)

if __name__ == "__main__":
    import jax
    _d = setup_inputs()
    print(jax.jit(kernel)(*tuple(_d.values())))

</pallas_src>

<mosaic_0001>
#map = affine_map<(d0, d1) -> (0, 0, 0)>
#map1 = affine_map<(d0, d1) -> (0, 0)>
#map2 = affine_map<(d0, d1) -> (0)>
module attributes {stable_mosaic.version = 14 : i64} {
  func.func @_sc_body(%arg0: i32, %arg1: i32, %arg2: memref<16x1x500xf32, #tpu.memory_space<hbm>>, %arg3: memref<3x16x500xf32, #tpu.memory_space<hbm>>, %arg4: memref<3x16x64xf32, #tpu.memory_space<hbm>>, %arg5: memref<16x64xi32, #tpu.memory_space<hbm>>, %arg6: memref<16x64xi32, #tpu.memory_space<hbm>>, %arg7: memref<16x64xi32, #tpu.memory_space<hbm>>, %arg8: memref<16x2x16xf32, #tpu.memory_space<hbm>>, %arg9: memref<16xf32, #tpu.memory_space<hbm>>, %arg10: memref<1x500xf32, #tpu.memory_space<vmem>>, %arg11: memref<516xf32, #tpu.memory_space<vmem>>, %arg12: memref<3x1x500xf32, #tpu.memory_space<vmem>>, %arg13: memref<3x1x64xf32, #tpu.memory_space<vmem>>, %arg14: memref<64xi32, #tpu.memory_space<vmem>>, %arg15: memref<64xi32, #tpu.memory_space<vmem>>, %arg16: memref<64xi32, #tpu.memory_space<vmem>>, %arg17: memref<2x16xf32, #tpu.memory_space<vmem>>, %arg18: memref<16x2x16xf32, #tpu.memory_space<vmem>>, %arg19: memref<16xf32, #tpu.memory_space<vmem>>, %arg20: memref<!tpu.dma_semaphore, #tpu.memory_space<semaphore_mem>>) attributes {dimension_semantics = [#tpu.dimension_semantics<core_parallel>, #tpu.dimension_semantics<subcore_parallel>], iteration_bounds = array<i64: 1, 16>, scalar_prefetch = 0 : i64, scratch_operands = 11 : i64, tpu.core_type = #tpu.core_type<sc_vector_subcore>, window_params = [{transform_indices = #map}, {transform_indices = #map}, {transform_indices = #map}, {transform_indices = #map1}, {transform_indices = #map1}, {transform_indices = #map1}, {transform_indices = #map}, {transform_indices = #map2}]} {
    %broadcast_in_dim3A = arith.constant 0.000000e+00 : f32
    %broadcast_in_dim3A_0 = vector.broadcast %broadcast_in_dim3A : f32 to vector<16xf32>
    %iota3A = tpu.iota {dimensions = array<i32: 0>} : vector<16xi32>
    %dma_start3A = arith.constant 0 : i32
    %dma_start3A_1 = tpu.memref_slice %arg6[%arg1, %dma_start3A] : memref<16x64xi32, #tpu.memory_space<hbm>> -> memref<1x64xi32, #tpu.memory_space<hbm>>
    %dma_start3A_2 = tpu.memref_squeeze %dma_start3A_1 : memref<1x64xi32, #tpu.memory_space<hbm>> -> memref<64xi32, #tpu.memory_space<hbm>>
    %dma_start3A_3 = arith.constant 0 : i32
    %dma_start3A_4 = tpu.memref_slice %arg6[%arg1, %dma_start3A_3] : memref<16x64xi32, #tpu.memory_space<hbm>> -> memref<1x64xi32, #tpu.memory_space<hbm>>
    %dma_start3A_5 = tpu.memref_squeeze %dma_start3A_4 : memref<1x64xi32, #tpu.memory_space<hbm>> -> memref<64xi32, #tpu.memory_space<hbm>>
    tpu.enqueue_dma source(%dma_start3A_5 : memref<64xi32, #tpu.memory_space<hbm>>) target(%arg15 : memref<64xi32, #tpu.memory_space<vmem>>) target_semaphore(%arg20 : memref<!tpu.dma_semaphore, #tpu.memory_space<semaphore_mem>>)
    %dma_start3A_6 = arith.constant 0 : i32
    %dma_start3A_7 = tpu.memref_slice %arg7[%arg1, %dma_start3A_6] : memref<16x64xi32, #tpu.memory_space<hbm>> -> memref<1x64xi32, #tpu.memory_space<hbm>>
    %dma_start3A_8 = tpu.memref_squeeze %dma_start3A_7 : memref<1x64xi32, #tpu.memory_space<hbm>> -> memref<64xi32, #tpu.memory_space<hbm>>
    %dma_start3A_9 = arith.constant 0 : i32
    %dma_start3A_10 = tpu.memref_slice %arg7[%arg1, %dma_start3A_9] : memref<16x64xi32, #tpu.memory_space<hbm>> -> memref<1x64xi32, #tpu.memory_space<hbm>>
    %dma_start3A_11 = tpu.memref_squeeze %dma_start3A_10 : memref<1x64xi32, #tpu.memory_space<hbm>> -> memref<64xi32, #tpu.memory_space<hbm>>
    tpu.enqueue_dma source(%dma_start3A_11 : memref<64xi32, #tpu.memory_space<hbm>>) target(%arg16 : memref<64xi32, #tpu.memory_space<vmem>>) target_semaphore(%arg20 : memref<!tpu.dma_semaphore, #tpu.memory_space<semaphore_mem>>)
    %dma_start3A_12 = arith.constant 0 : i32
    %dma_start3A_13 = arith.constant 0 : i32
    %dma_start3A_14 = tpu.memref_slice %arg2[%arg1, %dma_start3A_12, %dma_start3A_13] : memref<16x1x500xf32, #tpu.memory_space<hbm>> -> memref<1x1x500xf32, #tpu.memory_space<hbm>>
    %dma_start3A_15 = tpu.memref_squeeze %dma_start3A_14 : memref<1x1x500xf32, #tpu.memory_space<hbm>> -> memref<1x500xf32, #tpu.memory_space<hbm>>
    %dma_start3A_16 = arith.constant 0 : i32
    %dma_start3A_17 = arith.constant 0 : i32
    %dma_start3A_18 = tpu.memref_slice %arg2[%arg1, %dma_start3A_16, %dma_start3A_17] : memref<16x1x500xf32, #tpu.memory_space<hbm>> -> memref<1x1x500xf32, #tpu.memory_space<hbm>>
    %dma_start3A_19 = tpu.memref_squeeze %dma_start3A_18 : memref<1x1x500xf32, #tpu.memory_space<hbm>> -> memref<1x500xf32, #tpu.memory_space<hbm>>
    tpu.enqueue_dma source(%dma_start3A_19 : memref<1x500xf32, #tpu.memory_space<hbm>>) target(%arg10 : memref<1x500xf32, #tpu.memory_space<vmem>>) target_semaphore(%arg20 : memref<!tpu.dma_semaphore, #tpu.memory_space<semaphore_mem>>)
    %dma_start3A_20 = arith.constant 0 : i32
    %dma_start3A_21 = tpu.memref_slice %arg5[%arg1, %dma_start3A_20] : memref<16x64xi32, #tpu.memory_space<hbm>> -> memref<1x64xi32, #tpu.memory_space<hbm>>
    %dma_start3A_22 = tpu.memref_squeeze %dma_start3A_21 : memref<1x64xi32, #tpu.memory_space<hbm>> -> memref<64xi32, #tpu.memory_space<hbm>>
    %dma_start3A_23 = arith.constant 0 : i32
    %dma_start3A_24 = tpu.memref_slice %arg5[%arg1, %dma_start3A_23] : memref<16x64xi32, #tpu.memory_space<hbm>> -> memref<1x64xi32, #tpu.memory_space<hbm>>
    %dma_start3A_25 = tpu.memref_squeeze %dma_start3A_24 : memref<1x64xi32, #tpu.memory_space<hbm>> -> memref<64xi32, #tpu.memory_space<hbm>>
    tpu.enqueue_dma source(%dma_start3A_25 : memref<64xi32, #tpu.memory_space<hbm>>) target(%arg14 : memref<64xi32, #tpu.memory_space<vmem>>) target_semaphore(%arg20 : memref<!tpu.dma_semaphore, #tpu.memory_space<semaphore_mem>>)
    %dma_start3A_26 = arith.constant 0 : i32
    %dma_start3A_27 = arith.constant 0 : i32
    %dma_start3A_28 = arith.constant 0 : i32
    %dma_start3A_29 = arith.constant 0 : i32
    %dma_start3A_30 = tpu.memref_slice %arg12[%dma_start3A_27, %dma_start3A_28, %dma_start3A_29] : memref<3x1x500xf32, #tpu.memory_space<vmem>> -> memref<1x1x500xf32, #tpu.memory_space<vmem>>
    %dma_start3A_31 = tpu.memref_squeeze %dma_start3A_30 : memref<1x1x500xf32, #tpu.memory_space<vmem>> -> memref<1x500xf32, #tpu.memory_space<vmem>>
    %dma_start3A_32 = arith.constant 0 : i32
    %dma_start3A_33 = tpu.memref_slice %arg3[%dma_start3A_26, %arg1, %dma_start3A_32] : memref<3x16x500xf32, #tpu.memory_space<hbm>> -> memref<1x1x500xf32, #tpu.memory_space<hbm>>
    %dma_start3A_34 = tpu.memref_squeeze %dma_start3A_33 : memref<1x1x500xf32, #tpu.memory_space<hbm>> -> memref<1x500xf32, #tpu.memory_space<hbm>>
    %dma_start3A_35 = arith.constant 0 : i32
    %dma_start3A_36 = arith.constant 0 : i32
    %dma_start3A_37 = tpu.memref_slice %arg12[%dma_start3A_27, %dma_start3A_35, %dma_start3A_36] : memref<3x1x500xf32, #tpu.memory_space<vmem>> -> memref<1x1x500xf32, #tpu.memory_space<vmem>>
    %dma_start3A_38 = tpu.memref_squeeze %dma_start3A_37 : memref<1x1x500xf32, #tpu.memory_space<vmem>> -> memref<1x500xf32, #tpu.memory_space<vmem>>
    %dma_start3A_39 = arith.constant 0 : i32
    %dma_start3A_40 = tpu.memref_slice %arg3[%dma_start3A_26, %arg1, %dma_start3A_39] : memref<3x16x500xf32, #tpu.memory_space<hbm>> -> memref<1x1x500xf32, #tpu.memory_space<hbm>>
    %dma_start3A_41 = tpu.memref_squeeze %dma_start3A_40 : memref<1x1x500xf32, #tpu.memory_space<hbm>> -> memref<1x500xf32, #tpu.memory_space<hbm>>
    tpu.enqueue_dma source(%dma_start3A_41 : memref<1x500xf32, #tpu.memory_space<hbm>>) target(%dma_start3A_38 : memref<1x500xf32, #tpu.memory_space<vmem>>) target_semaphore(%arg20 : memref<!tpu.dma_semaphore, #tpu.memory_space<semaphore_mem>>)
    %dma_start3A_42 = arith.constant 1 : i32
    %dma_start3A_43 = arith.constant 1 : i32
    %dma_start3A_44 = arith.constant 0 : i32
    %dma_start3A_45 = arith.constant 0 : i32
    %dma_start3A_46 = tpu.memref_slice %arg12[%dma_start3A_43, %dma_start3A_44, %dma_start3A_45] : memref<3x1x500xf32, #tpu.memory_space<vmem>> -> memref<1x1x500xf32, #tpu.memory_space<vmem>>
    %dma_start3A_47 = tpu.memref_squeeze %dma_start3A_46 : memref<1x1x500xf32, #tpu.memory_space<vmem>> -> memref<1x500xf32, #tpu.memory_space<vmem>>
    %dma_start3A_48 = arith.constant 0 : i32
    %dma_start3A_49 = tpu.memref_slice %arg3[%dma_start3A_42, %arg1, %dma_start3A_48] : memref<3x16x500xf32, #tpu.memory_space<hbm>> -> memref<1x1x500xf32, #tpu.memory_space<hbm>>
    %dma_start3A_50 = tpu.memref_squeeze %dma_start3A_49 : memref<1x1x500xf32, #tpu.memory_space<hbm>> -> memref<1x500xf32, #tpu.memory_space<hbm>>
    %dma_start3A_51 = arith.constant 0 : i32
    %dma_start3A_52 = arith.constant 0 : i32
    %dma_start3A_53 = tpu.memref_slice %arg12[%dma_start3A_43, %dma_start3A_51, %dma_start3A_52] : memref<3x1x500xf32, #tpu.memory_space<vmem>> -> memref<1x1x500xf32, #tpu.memory_space<vmem>>
    %dma_start3A_54 = tpu.memref_squeeze %dma_start3A_53 : memref<1x1x500xf32, #tpu.memory_space<vmem>> -> memref<1x500xf32, #tpu.memory_space<vmem>>
    %dma_start3A_55 = arith.constant 0 : i32
    %dma_start3A_56 = tpu.memref_slice %arg3[%dma_start3A_42, %arg1, %dma_start3A_55] : memref<3x16x500xf32, #tpu.memory_space<hbm>> -> memref<1x1x500xf32, #tpu.memory_space<hbm>>
    %dma_start3A_57 = tpu.memref_squeeze %dma_start3A_56 : memref<1x1x500xf32, #tpu.memory_space<hbm>> -> memref<1x500xf32, #tpu.memory_space<hbm>>
    tpu.enqueue_dma source(%dma_start3A_57 : memref<1x500xf32, #tpu.memory_space<hbm>>) target(%dma_start3A_54 : memref<1x500xf32, #tpu.memory_space<vmem>>) target_semaphore(%arg20 : memref<!tpu.dma_semaphore, #tpu.memory_space<semaphore_mem>>)
    %dma_start3A_58 = arith.constant 2 : i32
    %dma_start3A_59 = arith.constant 2 : i32
    %dma_start3A_60 = arith.constant 0 : i32
    %dma_start3A_61 = arith.constant 0 : i32
    %dma_start3A_62 = tpu.memref_slice %arg12[%dma_start3A_59, %dma_start3A_60, %dma_start3A_61] : memref<3x1x500xf32, #tpu.memory_space<vmem>> -> memref<1x1x500xf32, #tpu.memory_space<vmem>>
    %dma_start3A_63 = tpu.memref_squeeze %dma_start3A_62 : memref<1x1x500xf32, #tpu.memory_space<vmem>> -> memref<1x500xf32, #tpu.memory_space<vmem>>
    %dma_start3A_64 = arith.constant 0 : i32
    %dma_start3A_65 = tpu.memref_slice %arg3[%dma_start3A_58, %arg1, %dma_start3A_64] : memref<3x16x500xf32, #tpu.memory_space<hbm>> -> memref<1x1x500xf32, #tpu.memory_space<hbm>>
    %dma_start3A_66 = tpu.memref_squeeze %dma_start3A_65 : memref<1x1x500xf32, #tpu.memory_space<hbm>> -> memref<1x500xf32, #tpu.memory_space<hbm>>
    %dma_start3A_67 = arith.constant 0 : i32
    %dma_start3A_68 = arith.constant 0 : i32
    %dma_start3A_69 = tpu.memref_slice %arg12[%dma_start3A_59, %dma_start3A_67, %dma_start3A_68] : memref<3x1x500xf32, #tpu.memory_space<vmem>> -> memref<1x1x500xf32, #tpu.memory_space<vmem>>
    %dma_start3A_70 = tpu.memref_squeeze %dma_start3A_69 : memref<1x1x500xf32, #tpu.memory_space<vmem>> -> memref<1x500xf32, #tpu.memory_space<vmem>>
    %dma_start3A_71 = arith.constant 0 : i32
    %dma_start3A_72 = tpu.memref_slice %arg3[%dma_start3A_58, %arg1, %dma_start3A_71] : memref<3x16x500xf32, #tpu.memory_space<hbm>> -> memref<1x1x500xf32, #tpu.memory_space<hbm>>
    %dma_start3A_73 = tpu.memref_squeeze %dma_start3A_72 : memref<1x1x500xf32, #tpu.memory_space<hbm>> -> memref<1x500xf32, #tpu.memory_space<hbm>>
    tpu.enqueue_dma source(%dma_start3A_73 : memref<1x500xf32, #tpu.memory_space<hbm>>) target(%dma_start3A_70 : memref<1x500xf32, #tpu.memory_space<vmem>>) target_semaphore(%arg20 : memref<!tpu.dma_semaphore, #tpu.memory_space<semaphore_mem>>)
    %dma_start3A_74 = arith.constant 0 : i32
    %dma_start3A_75 = arith.constant 0 : i32
    %dma_start3A_76 = arith.constant 0 : i32
    %dma_start3A_77 = arith.constant 0 : i32
    %dma_start3A_78 = tpu.memref_slice %arg13[%dma_start3A_75, %dma_start3A_76, %dma_start3A_77] : memref<3x1x64xf32, #tpu.memory_space<vmem>> -> memref<1x1x64xf32, #tpu.memory_space<vmem>>
    %dma_start3A_79 = tpu.memref_squeeze %dma_start3A_78 : memref<1x1x64xf32, #tpu.memory_space<vmem>> -> memref<1x64xf32, #tpu.memory_space<vmem>>
    %dma_start3A_80 = arith.constant 0 : i32
    %dma_start3A_81 = tpu.memref_slice %arg4[%dma_start3A_74, %arg1, %dma_start3A_80] : memref<3x16x64xf32, #tpu.memory_space<hbm>> -> memref<1x1x64xf32, #tpu.memory_space<hbm>>
    %dma_start3A_82 = tpu.memref_squeeze %dma_start3A_81 : memref<1x1x64xf32, #tpu.memory_space<hbm>> -> memref<1x64xf32, #tpu.memory_space<hbm>>
    %dma_start3A_83 = arith.constant 0 : i32
    %dma_start3A_84 = arith.constant 0 : i32
    %dma_start3A_85 = tpu.memref_slice %arg13[%dma_start3A_75, %dma_start3A_83, %dma_start3A_84] : memref<3x1x64xf32, #tpu.memory_space<vmem>> -> memref<1x1x64xf32, #tpu.memory_space<vmem>>
    %dma_start3A_86 = tpu.memref_squeeze %dma_start3A_85 : memref<1x1x64xf32, #tpu.memory_space<vmem>> -> memref<1x64xf32, #tpu.memory_space<vmem>>
    %dma_start3A_87 = arith.constant 0 : i32
    %dma_start3A_88 = tpu.memref_slice %arg4[%dma_start3A_74, %arg1, %dma_start3A_87] : memref<3x16x64xf32, #tpu.memory_space<hbm>> -> memref<1x1x64xf32, #tpu.memory_space<hbm>>
    %dma_start3A_89 = tpu.memref_squeeze %dma_start3A_88 : memref<1x1x64xf32, #tpu.memory_space<hbm>> -> memref<1x64xf32, #tpu.memory_space<hbm>>
    tpu.enqueue_dma source(%dma_start3A_89 : memref<1x64xf32, #tpu.memory_space<hbm>>) target(%dma_start3A_86 : memref<1x64xf32, #tpu.memory_space<vmem>>) target_semaphore(%arg20 : memref<!tpu.dma_semaphore, #tpu.memory_space<semaphore_mem>>)
    %dma_start3A_90 = arith.constant 1 : i32
    %dma_start3A_91 = arith.constant 1 : i32
    %dma_start3A_92 = arith.constant 0 : i32
    %dma_start3A_93 = arith.constant 0 : i32
    %dma_start3A_94 = tpu.memref_slice %arg13[%dma_start3A_91, %dma_start3A_92, %dma_start3A_93] : memref<3x1x64xf32, #tpu.memory_space<vmem>> -> memref<1x1x64xf32, #tpu.memory_space<vmem>>
    %dma_start3A_95 = tpu.memref_squeeze %dma_start3A_94 : memref<1x1x64xf32, #tpu.memory_space<vmem>> -> memref<1x64xf32, #tpu.memory_space<vmem>>
    %dma_start3A_96 = arith.constant 0 : i32
    %dma_start3A_97 = tpu.memref_slice %arg4[%dma_start3A_90, %arg1, %dma_start3A_96] : memref<3x16x64xf32, #tpu.memory_space<hbm>> -> memref<1x1x64xf32, #tpu.memory_space<hbm>>
    %dma_start3A_98 = tpu.memref_squeeze %dma_start3A_97 : memref<1x1x64xf32, #tpu.memory_space<hbm>> -> memref<1x64xf32, #tpu.memory_space<hbm>>
    %dma_start3A_99 = arith.constant 0 : i32
    %dma_start3A_100 = arith.constant 0 : i32
    %dma_start3A_101 = tpu.memref_slice %arg13[%dma_start3A_91, %dma_start3A_99, %dma_start3A_100] : memref<3x1x64xf32, #tpu.memory_space<vmem>> -> memref<1x1x64xf32, #tpu.memory_space<vmem>>
    %dma_start3A_102 = tpu.memref_squeeze %dma_start3A_101 : memref<1x1x64xf32, #tpu.memory_space<vmem>> -> memref<1x64xf32, #tpu.memory_space<vmem>>
    %dma_start3A_103 = arith.constant 0 : i32
    %dma_start3A_104 = tpu.memref_slice %arg4[%dma_start3A_90, %arg1, %dma_start3A_103] : memref<3x16x64xf32, #tpu.memory_space<hbm>> -> memref<1x1x64xf32, #tpu.memory_space<hbm>>
    %dma_start3A_105 = tpu.memref_squeeze %dma_start3A_104 : memref<1x1x64xf32, #tpu.memory_space<hbm>> -> memref<1x64xf32, #tpu.memory_space<hbm>>
    tpu.enqueue_dma source(%dma_start3A_105 : memref<1x64xf32, #tpu.memory_space<hbm>>) target(%dma_start3A_102 : memref<1x64xf32, #tpu.memory_space<vmem>>) target_semaphore(%arg20 : memref<!tpu.dma_semaphore, #tpu.memory_space<semaphore_mem>>)
    %dma_start3A_106 = arith.constant 2 : i32
    %dma_start3A_107 = arith.constant 2 : i32
    %dma_start3A_108 = arith.constant 0 : i32
    %dma_start3A_109 = arith.constant 0 : i32
    %dma_start3A_110 = tpu.memref_slice %arg13[%dma_start3A_107, %dma_start3A_108, %dma_start3A_109] : memref<3x1x64xf32, #tpu.memory_space<vmem>> -> memref<1x1x64xf32, #tpu.memory_space<vmem>>
    %dma_start3A_111 = tpu.memref_squeeze %dma_start3A_110 : memref<1x1x64xf32, #tpu.memory_space<vmem>> -> memref<1x64xf32, #tpu.memory_space<vmem>>
    %dma_start3A_112 = arith.constant 0 : i32
    %dma_start3A_113 = tpu.memref_slice %arg4[%dma_start3A_106, %arg1, %dma_start3A_112] : memref<3x16x64xf32, #tpu.memory_space<hbm>> -> memref<1x1x64xf32, #tpu.memory_space<hbm>>
    %dma_start3A_114 = tpu.memref_squeeze %dma_start3A_113 : memref<1x1x64xf32, #tpu.memory_space<hbm>> -> memref<1x64xf32, #tpu.memory_space<hbm>>
    %dma_start3A_115 = arith.constant 0 : i32
    %dma_start3A_116 = arith.constant 0 : i32
    %dma_start3A_117 = tpu.memref_slice %arg13[%dma_start3A_107, %dma_start3A_115, %dma_start3A_116] : memref<3x1x64xf32, #tpu.memory_space<vmem>> -> memref<1x1x64xf32, #tpu.memory_space<vmem>>
    %dma_start3A_118 = tpu.memref_squeeze %dma_start3A_117 : memref<1x1x64xf32, #tpu.memory_space<vmem>> -> memref<1x64xf32, #tpu.memory_space<vmem>>
    %dma_start3A_119 = arith.constant 0 : i32
    %dma_start3A_120 = tpu.memref_slice %arg4[%dma_start3A_106, %arg1, %dma_start3A_119] : memref<3x16x64xf32, #tpu.memory_space<hbm>> -> memref<1x1x64xf32, #tpu.memory_space<hbm>>
    %dma_start3A_121 = tpu.memref_squeeze %dma_start3A_120 : memref<1x1x64xf32, #tpu.memory_space<hbm>> -> memref<1x64xf32, #tpu.memory_space<hbm>>
    tpu.enqueue_dma source(%dma_start3A_121 : memref<1x64xf32, #tpu.memory_space<hbm>>) target(%dma_start3A_118 : memref<1x64xf32, #tpu.memory_space<vmem>>) target_semaphore(%arg20 : memref<!tpu.dma_semaphore, #tpu.memory_space<semaphore_mem>>)
    %scan3A = arith.constant 0 : i32
    %scan3A_122 = arith.constant 0 : i32
    %scan3A_123 = arith.constant 32 : i32
    %scan3A_124 = arith.addi %scan3A_122, %scan3A_123 : i32
    %scan3A_125 = arith.constant 1 : i32
    %scan3A_126 = scf.for %scan3A_421 = %scan3A_122 to %scan3A_124 step %scan3A_125 iter_args(%scan3A_422 = %scan3A) -> (i32)  : i32 {
      %mul3A_423 = arith.constant 16 : i32
      %mul3A_424 = arith.muli %scan3A_421, %mul3A_423 : i32
      %swap3A_425 = arith.index_cast %mul3A_424 : i32 to index
      %swap3A_426 = tpu.vector_load %arg11[%swap3A_425] {strides = array<i32>} : memref<516xf32, #tpu.memory_space<vmem>>, vector<16xf32>,
      tpu.vector_store %arg11[%swap3A_425], %broadcast_in_dim3A_0 {strides = array<i32>} : memref<516xf32, #tpu.memory_space<vmem>>, vector<16xf32>,
      %scan3A_427 = arith.constant 0 : i32
      scf.yield %scan3A_427 : i32
    }
    %scan3A_127 = arith.constant 32 : i32
    %dma_wait3A = arith.constant 0 : i32
    %dma_wait3A_128 = tpu.memref_slice %arg6[%arg1, %dma_wait3A] : memref<16x64xi32, #tpu.memory_space<hbm>> -> memref<1x64xi32, #tpu.memory_space<hbm>>
    %dma_wait3A_129 = tpu.memref_squeeze %dma_wait3A_128 : memref<1x64xi32, #tpu.memory_space<hbm>> -> memref<64xi32, #tpu.memory_space<hbm>>
    %dma_wait3A_130 = arith.constant 0 : i32
    %dma_wait3A_131 = tpu.memref_slice %arg6[%arg1, %dma_wait3A_130] : memref<16x64xi32, #tpu.memory_space<hbm>> -> memref<1x64xi32, #tpu.memory_space<hbm>>
    %dma_wait3A_132 = tpu.memref_squeeze %dma_wait3A_131 : memref<1x64xi32, #tpu.memory_space<hbm>> -> memref<64xi32, #tpu.memory_space<hbm>>
    tpu.wait_dma2 semaphore(%arg20 : memref<!tpu.dma_semaphore, #tpu.memory_space<semaphore_mem>>) src(%dma_wait3A_132 : memref<64xi32, #tpu.memory_space<hbm>>) dst(%arg15 : memref<64xi32, #tpu.memory_space<vmem>>)
    %dma_wait3A_133 = arith.constant 0 : i32
    %dma_wait3A_134 = tpu.memref_slice %arg7[%arg1, %dma_wait3A_133] : memref<16x64xi32, #tpu.memory_space<hbm>> -> memref<1x64xi32, #tpu.memory_space<hbm>>
    %dma_wait3A_135 = tpu.memref_squeeze %dma_wait3A_134 : memref<1x64xi32, #tpu.memory_space<hbm>> -> memref<64xi32, #tpu.memory_space<hbm>>
    %dma_wait3A_136 = arith.constant 0 : i32
    %dma_wait3A_137 = tpu.memref_slice %arg7[%arg1, %dma_wait3A_136] : memref<16x64xi32, #tpu.memory_space<hbm>> -> memref<1x64xi32, #tpu.memory_space<hbm>>
    %dma_wait3A_138 = tpu.memref_squeeze %dma_wait3A_137 : memref<1x64xi32, #tpu.memory_space<hbm>> -> memref<64xi32, #tpu.memory_space<hbm>>
    tpu.wait_dma2 semaphore(%arg20 : memref<!tpu.dma_semaphore, #tpu.memory_space<semaphore_mem>>) src(%dma_wait3A_138 : memref<64xi32, #tpu.memory_space<hbm>>) dst(%arg16 : memref<64xi32, #tpu.memory_space<vmem>>)
    %dma_wait3A_139 = arith.constant 0 : i32
    %dma_wait3A_140 = arith.constant 0 : i32
    %dma_wait3A_141 = tpu.memref_slice %arg2[%arg1, %dma_wait3A_139, %dma_wait3A_140] : memref<16x1x500xf32, #tpu.memory_space<hbm>> -> memref<1x1x500xf32, #tpu.memory_space<hbm>>
    %dma_wait3A_142 = tpu.memref_squeeze %dma_wait3A_141 : memref<1x1x500xf32, #tpu.memory_space<hbm>> -> memref<1x500xf32, #tpu.memory_space<hbm>>
    %dma_wait3A_143 = arith.constant 0 : i32
    %dma_wait3A_144 = arith.constant 0 : i32
    %dma_wait3A_145 = tpu.memref_slice %arg2[%arg1, %dma_wait3A_143, %dma_wait3A_144] : memref<16x1x500xf32, #tpu.memory_space<hbm>> -> memref<1x1x500xf32, #tpu.memory_space<hbm>>
    %dma_wait3A_146 = tpu.memref_squeeze %dma_wait3A_145 : memref<1x1x500xf32, #tpu.memory_space<hbm>> -> memref<1x500xf32, #tpu.memory_space<hbm>>
    tpu.wait_dma2 semaphore(%arg20 : memref<!tpu.dma_semaphore, #tpu.memory_space<semaphore_mem>>) src(%dma_wait3A_146 : memref<1x500xf32, #tpu.memory_space<hbm>>) dst(%arg10 : memref<1x500xf32, #tpu.memory_space<vmem>>)
    %dma_wait3A_147 = arith.constant 0 : i32
    %dma_wait3A_148 = tpu.memref_slice %arg5[%arg1, %dma_wait3A_147] : memref<16x64xi32, #tpu.memory_space<hbm>> -> memref<1x64xi32, #tpu.memory_space<hbm>>
    %dma_wait3A_149 = tpu.memref_squeeze %dma_wait3A_148 : memref<1x64xi32, #tpu.memory_space<hbm>> -> memref<64xi32, #tpu.memory_space<hbm>>
    %dma_wait3A_150 = arith.constant 0 : i32
    %dma_wait3A_151 = tpu.memref_slice %arg5[%arg1, %dma_wait3A_150] : memref<16x64xi32, #tpu.memory_space<hbm>> -> memref<1x64xi32, #tpu.memory_space<hbm>>
    %dma_wait3A_152 = tpu.memref_squeeze %dma_wait3A_151 : memref<1x64xi32, #tpu.memory_space<hbm>> -> memref<64xi32, #tpu.memory_space<hbm>>
    tpu.wait_dma2 semaphore(%arg20 : memref<!tpu.dma_semaphore, #tpu.memory_space<semaphore_mem>>) src(%dma_wait3A_152 : memref<64xi32, #tpu.memory_space<hbm>>) dst(%arg14 : memref<64xi32, #tpu.memory_space<vmem>>)
    %dma_wait3A_153 = arith.constant 0 : i32
    %dma_wait3A_154 = arith.constant 0 : i32
    %dma_wait3A_155 = arith.constant 0 : i32
    %dma_wait3A_156 = arith.constant 0 : i32
    %dma_wait3A_157 = tpu.memref_slice %arg12[%dma_wait3A_154, %dma_wait3A_155, %dma_wait3A_156] : memref<3x1x500xf32, #tpu.memory_space<vmem>> -> memref<1x1x500xf32, #tpu.memory_space<vmem>>
    %dma_wait3A_158 = tpu.memref_squeeze %dma_wait3A_157 : memref<1x1x500xf32, #tpu.memory_space<vmem>> -> memref<1x500xf32, #tpu.memory_space<vmem>>
    %dma_wait3A_159 = arith.constant 0 : i32
    %dma_wait3A_160 = tpu.memref_slice %arg3[%dma_wait3A_153, %arg1, %dma_wait3A_159] : memref<3x16x500xf32, #tpu.memory_space<hbm>> -> memref<1x1x500xf32, #tpu.memory_space<hbm>>
    %dma_wait3A_161 = tpu.memref_squeeze %dma_wait3A_160 : memref<1x1x500xf32, #tpu.memory_space<hbm>> -> memref<1x500xf32, #tpu.memory_space<hbm>>
    %dma_wait3A_162 = arith.constant 0 : i32
    %dma_wait3A_163 = arith.constant 0 : i32
    %dma_wait3A_164 = tpu.memref_slice %arg12[%dma_wait3A_154, %dma_wait3A_162, %dma_wait3A_163] : memref<3x1x500xf32, #tpu.memory_space<vmem>> -> memref<1x1x500xf32, #tpu.memory_space<vmem>>
    %dma_wait3A_165 = tpu.memref_squeeze %dma_wait3A_164 : memref<1x1x500xf32, #tpu.memory_space<vmem>> -> memref<1x500xf32, #tpu.memory_space<vmem>>
    %dma_wait3A_166 = arith.constant 0 : i32
    %dma_wait3A_167 = tpu.memref_slice %arg3[%dma_wait3A_153, %arg1, %dma_wait3A_166] : memref<3x16x500xf32, #tpu.memory_space<hbm>> -> memref<1x1x500xf32, #tpu.memory_space<hbm>>
    %dma_wait3A_168 = tpu.memref_squeeze %dma_wait3A_167 : memref<1x1x500xf32, #tpu.memory_space<hbm>> -> memref<1x500xf32, #tpu.memory_space<hbm>>
    tpu.wait_dma2 semaphore(%arg20 : memref<!tpu.dma_semaphore, #tpu.memory_space<semaphore_mem>>) src(%dma_wait3A_168 : memref<1x500xf32, #tpu.memory_space<hbm>>) dst(%dma_wait3A_165 : memref<1x500xf32, #tpu.memory_space<vmem>>)
    %dma_wait3A_169 = arith.constant 1 : i32
    %dma_wait3A_170 = arith.constant 1 : i32
    %dma_wait3A_171 = arith.constant 0 : i32
    %dma_wait3A_172 = arith.constant 0 : i32
    %dma_wait3A_173 = tpu.memref_slice %arg12[%dma_wait3A_170, %dma_wait3A_171, %dma_wait3A_172] : memref<3x1x500xf32, #tpu.memory_space<vmem>> -> memref<1x1x500xf32, #tpu.memory_space<vmem>>
    %dma_wait3A_174 = tpu.memref_squeeze %dma_wait3A_173 : memref<1x1x500xf32, #tpu.memory_space<vmem>> -> memref<1x500xf32, #tpu.memory_space<vmem>>
    %dma_wait3A_175 = arith.constant 0 : i32
    %dma_wait3A_176 = tpu.memref_slice %arg3[%dma_wait3A_169, %arg1, %dma_wait3A_175] : memref<3x16x500xf32, #tpu.memory_space<hbm>> -> memref<1x1x500xf32, #tpu.memory_space<hbm>>
    %dma_wait3A_177 = tpu.memref_squeeze %dma_wait3A_176 : memref<1x1x500xf32, #tpu.memory_space<hbm>> -> memref<1x500xf32, #tpu.memory_space<hbm>>
    %dma_wait3A_178 = arith.constant 0 : i32
    %dma_wait3A_179 = arith.constant 0 : i32
    %dma_wait3A_180 = tpu.memref_slice %arg12[%dma_wait3A_170, %dma_wait3A_178, %dma_wait3A_179] : memref<3x1x500xf32, #tpu.memory_space<vmem>> -> memref<1x1x500xf32, #tpu.memory_space<vmem>>
    %dma_wait3A_181 = tpu.memref_squeeze %dma_wait3A_180 : memref<1x1x500xf32, #tpu.memory_space<vmem>> -> memref<1x500xf32, #tpu.memory_space<vmem>>
    %dma_wait3A_182 = arith.constant 0 : i32
    %dma_wait3A_183 = tpu.memref_slice %arg3[%dma_wait3A_169, %arg1, %dma_wait3A_182] : memref<3x16x500xf32, #tpu.memory_space<hbm>> -> memref<1x1x500xf32, #tpu.memory_space<hbm>>
    %dma_wait3A_184 = tpu.memref_squeeze %dma_wait3A_183 : memref<1x1x500xf32, #tpu.memory_space<hbm>> -> memref<1x500xf32, #tpu.memory_space<hbm>>
    tpu.wait_dma2 semaphore(%arg20 : memref<!tpu.dma_semaphore, #tpu.memory_space<semaphore_mem>>) src(%dma_wait3A_184 : memref<1x500xf32, #tpu.memory_space<hbm>>) dst(%dma_wait3A_181 : memref<1x500xf32, #tpu.memory_space<vmem>>)
    %dma_wait3A_185 = arith.constant 2 : i32
    %dma_wait3A_186 = arith.constant 2 : i32
    %dma_wait3A_187 = arith.constant 0 : i32
    %dma_wait3A_188 = arith.constant 0 : i32
    %dma_wait3A_189 = tpu.memref_slice %arg12[%dma_wait3A_186, %dma_wait3A_187, %dma_wait3A_188] : memref<3x1x500xf32, #tpu.memory_space<vmem>> -> memref<1x1x500xf32, #tpu.memory_space<vmem>>
    %dma_wait3A_190 = tpu.memref_squeeze %dma_wait3A_189 : memref<1x1x500xf32, #tpu.memory_space<vmem>> -> memref<1x500xf32, #tpu.memory_space<vmem>>
    %dma_wait3A_191 = arith.constant 0 : i32
    %dma_wait3A_192 = tpu.memref_slice %arg3[%dma_wait3A_185, %arg1, %dma_wait3A_191] : memref<3x16x500xf32, #tpu.memory_space<hbm>> -> memref<1x1x500xf32, #tpu.memory_space<hbm>>
    %dma_wait3A_193 = tpu.memref_squeeze %dma_wait3A_192 : memref<1x1x500xf32, #tpu.memory_space<hbm>> -> memref<1x500xf32, #tpu.memory_space<hbm>>
    %dma_wait3A_194 = arith.constant 0 : i32
    %dma_wait3A_195 = arith.constant 0 : i32
    %dma_wait3A_196 = tpu.memref_slice %arg12[%dma_wait3A_186, %dma_wait3A_194, %dma_wait3A_195] : memref<3x1x500xf32, #tpu.memory_space<vmem>> -> memref<1x1x500xf32, #tpu.memory_space<vmem>>
    %dma_wait3A_197 = tpu.memref_squeeze %dma_wait3A_196 : memref<1x1x500xf32, #tpu.memory_space<vmem>> -> memref<1x500xf32, #tpu.memory_space<vmem>>
    %dma_wait3A_198 = arith.constant 0 : i32
    %dma_wait3A_199 = tpu.memref_slice %arg3[%dma_wait3A_185, %arg1, %dma_wait3A_198] : memref<3x16x500xf32, #tpu.memory_space<hbm>> -> memref<1x1x500xf32, #tpu.memory_space<hbm>>
    %dma_wait3A_200 = tpu.memref_squeeze %dma_wait3A_199 : memref<1x1x500xf32, #tpu.memory_space<hbm>> -> memref<1x500xf32, #tpu.memory_space<hbm>>
    tpu.wait_dma2 semaphore(%arg20 : memref<!tpu.dma_semaphore, #tpu.memory_space<semaphore_mem>>) src(%dma_wait3A_200 : memref<1x500xf32, #tpu.memory_space<hbm>>) dst(%dma_wait3A_197 : memref<1x500xf32, #tpu.memory_space<vmem>>)
    %dma_wait3A_201 = arith.constant 0 : i32
    %dma_wait3A_202 = arith.constant 0 : i32
    %dma_wait3A_203 = arith.constant 0 : i32
    %dma_wait3A_204 = arith.constant 0 : i32
    %dma_wait3A_205 = tpu.memref_slice %arg13[%dma_wait3A_202, %dma_wait3A_203, %dma_wait3A_204] : memref<3x1x64xf32, #tpu.memory_space<vmem>> -> memref<1x1x64xf32, #tpu.memory_space<vmem>>
    %dma_wait3A_206 = tpu.memref_squeeze %dma_wait3A_205 : memref<1x1x64xf32, #tpu.memory_space<vmem>> -> memref<1x64xf32, #tpu.memory_space<vmem>>
    %dma_wait3A_207 = arith.constant 0 : i32
    %dma_wait3A_208 = tpu.memref_slice %arg4[%dma_wait3A_201, %arg1, %dma_wait3A_207] : memref<3x16x64xf32, #tpu.memory_space<hbm>> -> memref<1x1x64xf32, #tpu.memory_space<hbm>>
    %dma_wait3A_209 = tpu.memref_squeeze %dma_wait3A_208 : memref<1x1x64xf32, #tpu.memory_space<hbm>> -> memref<1x64xf32, #tpu.memory_space<hbm>>
    %dma_wait3A_210 = arith.constant 0 : i32
    %dma_wait3A_211 = arith.constant 0 : i32
    %dma_wait3A_212 = tpu.memref_slice %arg13[%dma_wait3A_202, %dma_wait3A_210, %dma_wait3A_211] : memref<3x1x64xf32, #tpu.memory_space<vmem>> -> memref<1x1x64xf32, #tpu.memory_space<vmem>>
    %dma_wait3A_213 = tpu.memref_squeeze %dma_wait3A_212 : memref<1x1x64xf32, #tpu.memory_space<vmem>> -> memref<1x64xf32, #tpu.memory_space<vmem>>
    %dma_wait3A_214 = arith.constant 0 : i32
    %dma_wait3A_215 = tpu.memref_slice %arg4[%dma_wait3A_201, %arg1, %dma_wait3A_214] : memref<3x16x64xf32, #tpu.memory_space<hbm>> -> memref<1x1x64xf32, #tpu.memory_space<hbm>>
    %dma_wait3A_216 = tpu.memref_squeeze %dma_wait3A_215 : memref<1x1x64xf32, #tpu.memory_space<hbm>> -> memref<1x64xf32, #tpu.memory_space<hbm>>
    tpu.wait_dma2 semaphore(%arg20 : memref<!tpu.dma_semaphore, #tpu.memory_space<semaphore_mem>>) src(%dma_wait3A_216 : memref<1x64xf32, #tpu.memory_space<hbm>>) dst(%dma_wait3A_213 : memref<1x64xf32, #tpu.memory_space<vmem>>)
    %dma_wait3A_217 = arith.constant 1 : i32
    %dma_wait3A_218 = arith.constant 1 : i32
    %dma_wait3A_219 = arith.constant 0 : i32
    %dma_wait3A_220 = arith.constant 0 : i32
    %dma_wait3A_221 = tpu.memref_slice %arg13[%dma_wait3A_218, %dma_wait3A_219, %dma_wait3A_220] : memref<3x1x64xf32, #tpu.memory_space<vmem>> -> memref<1x1x64xf32, #tpu.memory_space<vmem>>
    %dma_wait3A_222 = tpu.memref_squeeze %dma_wait3A_221 : memref<1x1x64xf32, #tpu.memory_space<vmem>> -> memref<1x64xf32, #tpu.memory_space<vmem>>
    %dma_wait3A_223 = arith.constant 0 : i32
    %dma_wait3A_224 = tpu.memref_slice %arg4[%dma_wait3A_217, %arg1, %dma_wait3A_223] : memref<3x16x64xf32, #tpu.memory_space<hbm>> -> memref<1x1x64xf32, #tpu.memory_space<hbm>>
    %dma_wait3A_225 = tpu.memref_squeeze %dma_wait3A_224 : memref<1x1x64xf32, #tpu.memory_space<hbm>> -> memref<1x64xf32, #tpu.memory_space<hbm>>
    %dma_wait3A_226 = arith.constant 0 : i32
    %dma_wait3A_227 = arith.constant 0 : i32
    %dma_wait3A_228 = tpu.memref_slice %arg13[%dma_wait3A_218, %dma_wait3A_226, %dma_wait3A_227] : memref<3x1x64xf32, #tpu.memory_space<vmem>> -> memref<1x1x64xf32, #tpu.memory_space<vmem>>
    %dma_wait3A_229 = tpu.memref_squeeze %dma_wait3A_228 : memref<1x1x64xf32, #tpu.memory_space<vmem>> -> memref<1x64xf32, #tpu.memory_space<vmem>>
    %dma_wait3A_230 = arith.constant 0 : i32
    %dma_wait3A_231 = tpu.memref_slice %arg4[%dma_wait3A_217, %arg1, %dma_wait3A_230] : memref<3x16x64xf32, #tpu.memory_space<hbm>> -> memref<1x1x64xf32, #tpu.memory_space<hbm>>
    %dma_wait3A_232 = tpu.memref_squeeze %dma_wait3A_231 : memref<1x1x64xf32, #tpu.memory_space<hbm>> -> memref<1x64xf32, #tpu.memory_space<hbm>>
    tpu.wait_dma2 semaphore(%arg20 : memref<!tpu.dma_semaphore, #tpu.memory_space<semaphore_mem>>) src(%dma_wait3A_232 : memref<1x64xf32, #tpu.memory_space<hbm>>) dst(%dma_wait3A_229 : memref<1x64xf32, #tpu.memory_space<vmem>>)
    %dma_wait3A_233 = arith.constant 2 : i32
    %dma_wait3A_234 = arith.constant 2 : i32
    %dma_wait3A_235 = arith.constant 0 : i32
    %dma_wait3A_236 = arith.constant 0 : i32
    %dma_wait3A_237 = tpu.memref_slice %arg13[%dma_wait3A_234, %dma_wait3A_235, %dma_wait3A_236] : memref<3x1x64xf32, #tpu.memory_space<vmem>> -> memref<1x1x64xf32, #tpu.memory_space<vmem>>
    %dma_wait3A_238 = tpu.memref_squeeze %dma_wait3A_237 : memref<1x1x64xf32, #tpu.memory_space<vmem>> -> memref<1x64xf32, #tpu.memory_space<vmem>>
    %dma_wait3A_239 = arith.constant 0 : i32
    %dma_wait3A_240 = tpu.memref_slice %arg4[%dma_wait3A_233, %arg1, %dma_wait3A_239] : memref<3x16x64xf32, #tpu.memory_space<hbm>> -> memref<1x1x64xf32, #tpu.memory_space<hbm>>
    %dma_wait3A_241 = tpu.memref_squeeze %dma_wait3A_240 : memref<1x1x64xf32, #tpu.memory_space<hbm>> -> memref<1x64xf32, #tpu.memory_space<hbm>>
    %dma_wait3A_242 = arith.constant 0 : i32
    %dma_wait3A_243 = arith.constant 0 : i32
    %dma_wait3A_244 = tpu.memref_slice %arg13[%dma_wait3A_234, %dma_wait3A_242, %dma_wait3A_243] : memref<3x1x64xf32, #tpu.memory_space<vmem>> -> memref<1x1x64xf32, #tpu.memory_space<vmem>>
    %dma_wait3A_245 = tpu.memref_squeeze %dma_wait3A_244 : memref<1x1x64xf32, #tpu.memory_space<vmem>> -> memref<1x64xf32, #tpu.memory_space<vmem>>
    %dma_wait3A_246 = arith.constant 0 : i32
    %dma_wait3A_247 = tpu.memref_slice %arg4[%dma_wait3A_233, %arg1, %dma_wait3A_246] : memref<3x16x64xf32, #tpu.memory_space<hbm>> -> memref<1x1x64xf32, #tpu.memory_space<hbm>>
    %dma_wait3A_248 = tpu.memref_squeeze %dma_wait3A_247 : memref<1x1x64xf32, #tpu.memory_space<hbm>> -> memref<1x64xf32, #tpu.memory_space<hbm>>
    tpu.wait_dma2 semaphore(%arg20 : memref<!tpu.dma_semaphore, #tpu.memory_space<semaphore_mem>>) src(%dma_wait3A_248 : memref<1x64xf32, #tpu.memory_space<hbm>>) dst(%dma_wait3A_245 : memref<1x64xf32, #tpu.memory_space<vmem>>)
    %get3A = arith.constant 0 : index
    %get3A_249 = tpu.vector_load %arg15[%get3A] {strides = array<i32>} : memref<64xi32, #tpu.memory_space<vmem>>, vector<16xi32>,
    %get3A_250 = arith.constant 0 : index
    %get3A_251 = tpu.vector_load %arg16[%get3A_250] {strides = array<i32>} : memref<64xi32, #tpu.memory_space<vmem>>, vector<16xi32>,
    %gather3A = tpu.vector_load_idx %arg14[%get3A_251] : memref<64xi32, #tpu.memory_space<vmem>>[vector<16xi32>], vector<16xi32>,
    %convert_element_type3A = arith.sitofp %gather3A : vector<16xi32> to vector<16xf32>
    tpu.vector_store_idx %arg11[%get3A_249], %convert_element_type3A : memref<516xf32, #tpu.memory_space<vmem>>[vector<16xi32>], vector<16xf32>,
    %get3A_252 = arith.constant 16 : index
    %get3A_253 = tpu.vector_load %arg15[%get3A_252] {strides = array<i32>} : memref<64xi32, #tpu.memory_space<vmem>>, vector<16xi32>,
    %get3A_254 = arith.constant 16 : index
    %get3A_255 = tpu.vector_load %arg16[%get3A_254] {strides = array<i32>} : memref<64xi32, #tpu.memory_space<vmem>>, vector<16xi32>,
    %gather3A_256 = tpu.vector_load_idx %arg14[%get3A_255] : memref<64xi32, #tpu.memory_space<vmem>>[vector<16xi32>], vector<16xi32>,
    %convert_element_type3A_257 = arith.sitofp %gather3A_256 : vector<16xi32> to vector<16xf32>
    tpu.vector_store_idx %arg11[%get3A_253], %convert_element_type3A_257 : memref<516xf32, #tpu.memory_space<vmem>>[vector<16xi32>], vector<16xf32>,
    %get3A_258 = arith.constant 32 : index
    %get3A_259 = tpu.vector_load %arg15[%get3A_258] {strides = array<i32>} : memref<64xi32, #tpu.memory_space<vmem>>, vector<16xi32>,
    %get3A_260 = arith.constant 32 : index
    %get3A_261 = tpu.vector_load %arg16[%get3A_260] {strides = array<i32>} : memref<64xi32, #tpu.memory_space<vmem>>, vector<16xi32>,
    %gather3A_262 = tpu.vector_load_idx %arg14[%get3A_261] : memref<64xi32, #tpu.memory_space<vmem>>[vector<16xi32>], vector<16xi32>,
    %convert_element_type3A_263 = arith.sitofp %gather3A_262 : vector<16xi32> to vector<16xf32>
    tpu.vector_store_idx %arg11[%get3A_259], %convert_element_type3A_263 : memref<516xf32, #tpu.memory_space<vmem>>[vector<16xi32>], vector<16xf32>,
    %get3A_264 = arith.constant 48 : index
    %get3A_265 = tpu.vector_load %arg15[%get3A_264] {strides = array<i32>} : memref<64xi32, #tpu.memory_space<vmem>>, vector<16xi32>,
    %get3A_266 = arith.constant 48 : index
    %get3A_267 = tpu.vector_load %arg16[%get3A_266] {strides = array<i32>} : memref<64xi32, #tpu.memory_space<vmem>>, vector<16xi32>,
    %gather3A_268 = tpu.vector_load_idx %arg14[%get3A_267] : memref<64xi32, #tpu.memory_space<vmem>>[vector<16xi32>], vector<16xi32>,
    %convert_element_type3A_269 = arith.sitofp %gather3A_268 : vector<16xi32> to vector<16xf32>
    tpu.vector_store_idx %arg11[%get3A_265], %convert_element_type3A_269 : memref<516xf32, #tpu.memory_space<vmem>>[vector<16xi32>], vector<16xf32>,
    %scan3A_270 = arith.constant 0 : i32
    %scan3A_271 = arith.constant 31 : i32
    %scan3A_272 = arith.addi %scan3A_270, %scan3A_271 : i32
    %scan3A_273 = arith.constant 1 : i32
    %scan3A_274 = scf.for %scan3A_421 = %scan3A_270 to %scan3A_272 step %scan3A_273 iter_args(%scan3A_422 = %broadcast_in_dim3A_0) -> (vector<16xf32>)  : i32 {
      %mul3A_423 = arith.constant 16 : i32
      %mul3A_424 = arith.muli %scan3A_421, %mul3A_423 : i32
      %get3A_425 = arith.constant 0 : i32
      %get3A_426 = arith.index_cast %get3A_425 : i32 to index
      %get3A_427 = arith.index_cast %mul3A_424 : i32 to index
      %get3A_428 = tpu.vector_load %arg10[%get3A_426, %get3A_427] {strides = array<i32>} : memref<1x500xf32, #tpu.memory_space<vmem>>, vector<16xf32>,
      %mul3A_429 = arith.constant 16 : i32
      %mul3A_430 = arith.muli %scan3A_421, %mul3A_429 : i32
      %get3A_431 = arith.index_cast %mul3A_430 : i32 to index
      %get3A_432 = tpu.vector_load %arg11[%get3A_431] {strides = array<i32>} : memref<516xf32, #tpu.memory_space<vmem>>, vector<16xf32>,
      %abs3A_433 = math.absf %get3A_428 : vector<16xf32>
      %neg3A_434 = arith.constant 0.000000e+00 : f32
      %neg3A_435 = vector.broadcast %neg3A_434 : f32 to vector<16xf32>
      %neg3A_436 = arith.subf %neg3A_435, %abs3A_433 : vector<16xf32>
      %exp3A_437 = math.exp %neg3A_436 : vector<16xf32>
      %add3A_438 = arith.constant 2.000000e+00 : f32
      %add3A_439 = vector.broadcast %add3A_438 : f32 to vector<16xf32>
      %add3A_440 = arith.addf %exp3A_437, %add3A_439 : vector<16xf32>
      %div3A_441 = arith.divf %exp3A_437, %add3A_440 : vector<16xf32>
      %mul3A_442 = arith.mulf %div3A_441, %div3A_441 : vector<16xf32>
      %mul3A_443 = arith.constant 0.285714298 : f32
      %mul3A_444 = vector.broadcast %mul3A_443 : f32 to vector<16xf32>
      %mul3A_445 = arith.mulf %mul3A_442, %mul3A_444 : vector<16xf32>
      %add3A_446 = arith.constant 4.000000e-01 : f32
      %add3A_447 = vector.broadcast %add3A_446 : f32 to vector<16xf32>
      %add3A_448 = arith.addf %add3A_447, %mul3A_445 : vector<16xf32>
      %mul3A_449 = arith.mulf %mul3A_442, %add3A_448 : vector<16xf32>
      %add3A_450 = arith.constant 0.666666686 : f32
      %add3A_451 = vector.broadcast %add3A_450 : f32 to vector<16xf32>
      %add3A_452 = arith.addf %add3A_451, %mul3A_449 : vector<16xf32>
      %mul3A_453 = arith.mulf %mul3A_442, %add3A_452 : vector<16xf32>
      %add3A_454 = arith.constant 2.000000e+00 : f32
      %add3A_455 = vector.broadcast %add3A_454 : f32 to vector<16xf32>
      %add3A_456 = arith.addf %add3A_455, %mul3A_453 : vector<16xf32>
      %mul3A_457 = arith.mulf %div3A_441, %add3A_456 : vector<16xf32>
      %max3A_458 = arith.constant 0.000000e+00 : f32
      %max3A_459 = vector.broadcast %max3A_458 : f32 to vector<16xf32>
      %max3A_460 = arith.maximumf %get3A_428, %max3A_459 : vector<16xf32>
      %mul3A_461 = arith.mulf %get3A_428, %get3A_432 : vector<16xf32>
      %sub3A_462 = arith.subf %max3A_460, %mul3A_461 : vector<16xf32>
      %add3A_463 = arith.addf %sub3A_462, %mul3A_457 : vector<16xf32>
      %add3A_464 = arith.addf %scan3A_422, %add3A_463 : vector<16xf32>
      scf.yield %add3A_464 : vector<16xf32>
    }
    %scan3A_275 = arith.constant 31 : i32
    %get3A_276 = arith.constant 0 : i32
    %get3A_277 = arith.index_cast %get3A_276 : i32 to index
    %get3A_278 = arith.constant 484 : index
    %get3A_279 = tpu.vector_load %arg10[%get3A_277, %get3A_278] {strides = array<i32>} : memref<1x500xf32, #tpu.memory_space<vmem>>, vector<16xf32>,
    %get3A_280 = arith.constant 484 : index
    %get3A_281 = tpu.vector_load %arg11[%get3A_280] {strides = array<i32>} : memref<516xf32, #tpu.memory_space<vmem>>, vector<16xf32>,
    %abs3A = math.absf %get3A_279 : vector<16xf32>
    %neg3A = arith.constant 0.000000e+00 : f32
    %neg3A_282 = vector.broadcast %neg3A : f32 to vector<16xf32>
    %neg3A_283 = arith.subf %neg3A_282, %abs3A : vector<16xf32>
    %exp3A = math.exp %neg3A_283 : vector<16xf32>
    %add3A = arith.constant 2.000000e+00 : f32
    %add3A_284 = vector.broadcast %add3A : f32 to vector<16xf32>
    %add3A_285 = arith.addf %exp3A, %add3A_284 : vector<16xf32>
    %div3A = arith.divf %exp3A, %add3A_285 : vector<16xf32>
    %mul3A = arith.mulf %div3A, %div3A : vector<16xf32>
    %mul3A_286 = arith.constant 0.285714298 : f32
    %mul3A_287 = vector.broadcast %mul3A_286 : f32 to vector<16xf32>
    %mul3A_288 = arith.mulf %mul3A, %mul3A_287 : vector<16xf32>
    %add3A_289 = arith.constant 4.000000e-01 : f32
    %add3A_290 = vector.broadcast %add3A_289 : f32 to vector<16xf32>
    %add3A_291 = arith.addf %add3A_290, %mul3A_288 : vector<16xf32>
    %mul3A_292 = arith.mulf %mul3A, %add3A_291 : vector<16xf32>
    %add3A_293 = arith.constant 0.666666686 : f32
    %add3A_294 = vector.broadcast %add3A_293 : f32 to vector<16xf32>
    %add3A_295 = arith.addf %add3A_294, %mul3A_292 : vector<16xf32>
    %mul3A_296 = arith.mulf %mul3A, %add3A_295 : vector<16xf32>
    %add3A_297 = arith.constant 2.000000e+00 : f32
    %add3A_298 = vector.broadcast %add3A_297 : f32 to vector<16xf32>
    %add3A_299 = arith.addf %add3A_298, %mul3A_296 : vector<16xf32>
    %mul3A_300 = arith.mulf %div3A, %add3A_299 : vector<16xf32>
    %max3A = arith.constant 0.000000e+00 : f32
    %max3A_301 = vector.broadcast %max3A : f32 to vector<16xf32>
    %max3A_302 = arith.maximumf %get3A_279, %max3A_301 : vector<16xf32>
    %mul3A_303 = arith.mulf %get3A_279, %get3A_281 : vector<16xf32>
    %sub3A = arith.subf %max3A_302, %mul3A_303 : vector<16xf32>
    %add3A_304 = arith.addf %sub3A, %mul3A_300 : vector<16xf32>
    %ge3A = arith.constant 12 : i32
    %ge3A_305 = vector.broadcast %ge3A : i32 to vector<16xi32>
    %ge3A_306 = arith.cmpi sge, %iota3A, %ge3A_305 : vector<16xi32>
    %jit3A = arith.constant 0.000000e+00 : f32
    %broadcast_in_dim3A_307 = vector.broadcast %jit3A : f32 to vector<16xf32>
    %select_n3A = arith.select %ge3A_306, %add3A_304, %broadcast_in_dim3A_307 : vector<16xi1>, vector<16xf32>
    %add3A_308 = arith.addf %scan3A_274, %select_n3A : vector<16xf32>
    %broadcast_in_dim3A_309 = arith.constant 0 : i32
    %broadcast_in_dim3A_310 = vector.broadcast %broadcast_in_dim3A_309 : i32 to vector<16xi32>
    %get3A_311 = arith.constant 0 : index
    %get3A_312 = tpu.vector_load %arg15[%get3A_311] {strides = array<i32>} : memref<64xi32, #tpu.memory_space<vmem>>, vector<16xi32>,
    %get3A_313 = arith.constant 0 : index
    %get3A_314 = tpu.vector_load %arg16[%get3A_313] {strides = array<i32>} : memref<64xi32, #tpu.memory_space<vmem>>, vector<16xi32>,
    %broadcast_in_dim3A_315 = arith.constant 0 : i32
    %broadcast_in_dim3A_316 = vector.broadcast %broadcast_in_dim3A_315 : i32 to vector<16xi32>
    %gather3A_317 = tpu.vector_load_idx %arg12[%broadcast_in_dim3A_316, %broadcast_in_dim3A_310, %get3A_312] : memref<3x1x500xf32, #tpu.memory_space<vmem>>[vector<16xi32>, vector<16xi32>, vector<16xi32>], vector<16xf32>,
    %gather3A_318 = tpu.vector_load_idx %arg13[%broadcast_in_dim3A_316, %broadcast_in_dim3A_310, %get3A_314] : memref<3x1x64xf32, #tpu.memory_space<vmem>>[vector<16xi32>, vector<16xi32>, vector<16xi32>], vector<16xf32>,
    %sub3A_319 = arith.subf %gather3A_317, %gather3A_318 : vector<16xf32>
    %abs3A_320 = math.absf %sub3A_319 : vector<16xf32>
    %add3A_321 = arith.addf %broadcast_in_dim3A_0, %abs3A_320 : vector<16xf32>
    %broadcast_in_dim3A_322 = arith.constant 1 : i32
    %broadcast_in_dim3A_323 = vector.broadcast %broadcast_in_dim3A_322 : i32 to vector<16xi32>
    %gather3A_324 = tpu.vector_load_idx %arg12[%broadcast_in_dim3A_323, %broadcast_in_dim3A_310, %get3A_312] : memref<3x1x500xf32, #tpu.memory_space<vmem>>[vector<16xi32>, vector<16xi32>, vector<16xi32>], vector<16xf32>,
    %gather3A_325 = tpu.vector_load_idx %arg13[%broadcast_in_dim3A_323, %broadcast_in_dim3A_310, %get3A_314] : memref<3x1x64xf32, #tpu.memory_space<vmem>>[vector<16xi32>, vector<16xi32>, vector<16xi32>], vector<16xf32>,
    %sub3A_326 = arith.subf %gather3A_324, %gather3A_325 : vector<16xf32>
    %abs3A_327 = math.absf %sub3A_326 : vector<16xf32>
    %add3A_328 = arith.addf %add3A_321, %abs3A_327 : vector<16xf32>
    %broadcast_in_dim3A_329 = arith.constant 2 : i32
    %broadcast_in_dim3A_330 = vector.broadcast %broadcast_in_dim3A_329 : i32 to vector<16xi32>
    %gather3A_331 = tpu.vector_load_idx %arg12[%broadcast_in_dim3A_330, %broadcast_in_dim3A_310, %get3A_312] : memref<3x1x500xf32, #tpu.memory_space<vmem>>[vector<16xi32>, vector<16xi32>, vector<16xi32>], vector<16xf32>,
    %gather3A_332 = tpu.vector_load_idx %arg13[%broadcast_in_dim3A_330, %broadcast_in_dim3A_310, %get3A_314] : memref<3x1x64xf32, #tpu.memory_space<vmem>>[vector<16xi32>, vector<16xi32>, vector<16xi32>], vector<16xf32>,
    %sub3A_333 = arith.subf %gather3A_331, %gather3A_332 : vector<16xf32>
    %abs3A_334 = math.absf %sub3A_333 : vector<16xf32>
    %add3A_335 = arith.addf %add3A_328, %abs3A_334 : vector<16xf32>
    %get3A_336 = arith.constant 16 : index
    %get3A_337 = tpu.vector_load %arg15[%get3A_336] {strides = array<i32>} : memref<64xi32, #tpu.memory_space<vmem>>, vector<16xi32>,
    %get3A_338 = arith.constant 16 : index
    %get3A_339 = tpu.vector_load %arg16[%get3A_338] {strides = array<i32>} : memref<64xi32, #tpu.memory_space<vmem>>, vector<16xi32>,
    %broadcast_in_dim3A_340 = arith.constant 0 : i32
    %broadcast_in_dim3A_341 = vector.broadcast %broadcast_in_dim3A_340 : i32 to vector<16xi32>
    %gather3A_342 = tpu.vector_load_idx %arg12[%broadcast_in_dim3A_341, %broadcast_in_dim3A_310, %get3A_337] : memref<3x1x500xf32, #tpu.memory_space<vmem>>[vector<16xi32>, vector<16xi32>, vector<16xi32>], vector<16xf32>,
    %gather3A_343 = tpu.vector_load_idx %arg13[%broadcast_in_dim3A_341, %broadcast_in_dim3A_310, %get3A_339] : memref<3x1x64xf32, #tpu.memory_space<vmem>>[vector<16xi32>, vector<16xi32>, vector<16xi32>], vector<16xf32>,
    %sub3A_344 = arith.subf %gather3A_342, %gather3A_343 : vector<16xf32>
    %abs3A_345 = math.absf %sub3A_344 : vector<16xf32>
    %add3A_346 = arith.addf %add3A_335, %abs3A_345 : vector<16xf32>
    %broadcast_in_dim3A_347 = arith.constant 1 : i32
    %broadcast_in_dim3A_348 = vector.broadcast %broadcast_in_dim3A_347 : i32 to vector<16xi32>
    %gather3A_349 = tpu.vector_load_idx %arg12[%broadcast_in_dim3A_348, %broadcast_in_dim3A_310, %get3A_337] : memref<3x1x500xf32, #tpu.memory_space<vmem>>[vector<16xi32>, vector<16xi32>, vector<16xi32>], vector<16xf32>,
    %gather3A_350 = tpu.vector_load_idx %arg13[%broadcast_in_dim3A_348, %broadcast_in_dim3A_310, %get3A_339] : memref<3x1x64xf32, #tpu.memory_space<vmem>>[vector<16xi32>, vector<16xi32>, vector<16xi32>], vector<16xf32>,
    %sub3A_351 = arith.subf %gather3A_349, %gather3A_350 : vector<16xf32>
    %abs3A_352 = math.absf %sub3A_351 : vector<16xf32>
    %add3A_353 = arith.addf %add3A_346, %abs3A_352 : vector<16xf32>
    %broadcast_in_dim3A_354 = arith.constant 2 : i32
    %broadcast_in_dim3A_355 = vector.broadcast %broadcast_in_dim3A_354 : i32 to vector<16xi32>
    %gather3A_356 = tpu.vector_load_idx %arg12[%broadcast_in_dim3A_355, %broadcast_in_dim3A_310, %get3A_337] : memref<3x1x500xf32, #tpu.memory_space<vmem>>[vector<16xi32>, vector<16xi32>, vector<16xi32>], vector<16xf32>,
    %gather3A_357 = tpu.vector_load_idx %arg13[%broadcast_in_dim3A_355, %broadcast_in_dim3A_310, %get3A_339] : memref<3x1x64xf32, #tpu.memory_space<vmem>>[vector<16xi32>, vector<16xi32>, vector<16xi32>], vector<16xf32>,
    %sub3A_358 = arith.subf %gather3A_356, %gather3A_357 : vector<16xf32>
    %abs3A_359 = math.absf %sub3A_358 : vector<16xf32>
    %add3A_360 = arith.addf %add3A_353, %abs3A_359 : vector<16xf32>
    %get3A_361 = arith.constant 32 : index
    %get3A_362 = tpu.vector_load %arg15[%get3A_361] {strides = array<i32>} : memref<64xi32, #tpu.memory_space<vmem>>, vector<16xi32>,
    %get3A_363 = arith.constant 32 : index
    %get3A_364 = tpu.vector_load %arg16[%get3A_363] {strides = array<i32>} : memref<64xi32, #tpu.memory_space<vmem>>, vector<16xi32>,
    %broadcast_in_dim3A_365 = arith.constant 0 : i32
    %broadcast_in_dim3A_366 = vector.broadcast %broadcast_in_dim3A_365 : i32 to vector<16xi32>
    %gather3A_367 = tpu.vector_load_idx %arg12[%broadcast_in_dim3A_366, %broadcast_in_dim3A_310, %get3A_362] : memref<3x1x500xf32, #tpu.memory_space<vmem>>[vector<16xi32>, vector<16xi32>, vector<16xi32>], vector<16xf32>,
    %gather3A_368 = tpu.vector_load_idx %arg13[%broadcast_in_dim3A_366, %broadcast_in_dim3A_310, %get3A_364] : memref<3x1x64xf32, #tpu.memory_space<vmem>>[vector<16xi32>, vector<16xi32>, vector<16xi32>], vector<16xf32>,
    %sub3A_369 = arith.subf %gather3A_367, %gather3A_368 : vector<16xf32>
    %abs3A_370 = math.absf %sub3A_369 : vector<16xf32>
    %add3A_371 = arith.addf %add3A_360, %abs3A_370 : vector<16xf32>
    %broadcast_in_dim3A_372 = arith.constant 1 : i32
    %broadcast_in_dim3A_373 = vector.broadcast %broadcast_in_dim3A_372 : i32 to vector<16xi32>
    %gather3A_374 = tpu.vector_load_idx %arg12[%broadcast_in_dim3A_373, %broadcast_in_dim3A_310, %get3A_362] : memref<3x1x500xf32, #tpu.memory_space<vmem>>[vector<16xi32>, vector<16xi32>, vector<16xi32>], vector<16xf32>,
    %gather3A_375 = tpu.vector_load_idx %arg13[%broadcast_in_dim3A_373, %broadcast_in_dim3A_310, %get3A_364] : memref<3x1x64xf32, #tpu.memory_space<vmem>>[vector<16xi32>, vector<16xi32>, vector<16xi32>], vector<16xf32>,
    %sub3A_376 = arith.subf %gather3A_374, %gather3A_375 : vector<16xf32>
    %abs3A_377 = math.absf %sub3A_376 : vector<16xf32>
    %add3A_378 = arith.addf %add3A_371, %abs3A_377 : vector<16xf32>
    %broadcast_in_dim3A_379 = arith.constant 2 : i32
    %broadcast_in_dim3A_380 = vector.broadcast %broadcast_in_dim3A_379 : i32 to vector<16xi32>
    %gather3A_381 = tpu.vector_load_idx %arg12[%broadcast_in_dim3A_380, %broadcast_in_dim3A_310, %get3A_362] : memref<3x1x500xf32, #tpu.memory_space<vmem>>[vector<16xi32>, vector<16xi32>, vector<16xi32>], vector<16xf32>,
    %gather3A_382 = tpu.vector_load_idx %arg13[%broadcast_in_dim3A_380, %broadcast_in_dim3A_310, %get3A_364] : memref<3x1x64xf32, #tpu.memory_space<vmem>>[vector<16xi32>, vector<16xi32>, vector<16xi32>], vector<16xf32>,
    %sub3A_383 = arith.subf %gather3A_381, %gather3A_382 : vector<16xf32>
    %abs3A_384 = math.absf %sub3A_383 : vector<16xf32>
    %add3A_385 = arith.addf %add3A_378, %abs3A_384 : vector<16xf32>
    %get3A_386 = arith.constant 48 : index
    %get3A_387 = tpu.vector_load %arg15[%get3A_386] {strides = array<i32>} : memref<64xi32, #tpu.memory_space<vmem>>, vector<16xi32>,
    %get3A_388 = arith.constant 48 : index
    %get3A_389 = tpu.vector_load %arg16[%get3A_388] {strides = array<i32>} : memref<64xi32, #tpu.memory_space<vmem>>, vector<16xi32>,
    %broadcast_in_dim3A_390 = arith.constant 0 : i32
    %broadcast_in_dim3A_391 = vector.broadcast %broadcast_in_dim3A_390 : i32 to vector<16xi32>
    %gather3A_392 = tpu.vector_load_idx %arg12[%broadcast_in_dim3A_391, %broadcast_in_dim3A_310, %get3A_387] : memref<3x1x500xf32, #tpu.memory_space<vmem>>[vector<16xi32>, vector<16xi32>, vector<16xi32>], vector<16xf32>,
    %gather3A_393 = tpu.vector_load_idx %arg13[%broadcast_in_dim3A_391, %broadcast_in_dim3A_310, %get3A_389] : memref<3x1x64xf32, #tpu.memory_space<vmem>>[vector<16xi32>, vector<16xi32>, vector<16xi32>], vector<16xf32>,
    %sub3A_394 = arith.subf %gather3A_392, %gather3A_393 : vector<16xf32>
    %abs3A_395 = math.absf %sub3A_394 : vector<16xf32>
    %add3A_396 = arith.addf %add3A_385, %abs3A_395 : vector<16xf32>
    %broadcast_in_dim3A_397 = arith.constant 1 : i32
    %broadcast_in_dim3A_398 = vector.broadcast %broadcast_in_dim3A_397 : i32 to vector<16xi32>
    %gather3A_399 = tpu.vector_load_idx %arg12[%broadcast_in_dim3A_398, %broadcast_in_dim3A_310, %get3A_387] : memref<3x1x500xf32, #tpu.memory_space<vmem>>[vector<16xi32>, vector<16xi32>, vector<16xi32>], vector<16xf32>,
    %gather3A_400 = tpu.vector_load_idx %arg13[%broadcast_in_dim3A_398, %broadcast_in_dim3A_310, %get3A_389] : memref<3x1x64xf32, #tpu.memory_space<vmem>>[vector<16xi32>, vector<16xi32>, vector<16xi32>], vector<16xf32>,
    %sub3A_401 = arith.subf %gather3A_399, %gather3A_400 : vector<16xf32>
    %abs3A_402 = math.absf %sub3A_401 : vector<16xf32>
    %add3A_403 = arith.addf %add3A_396, %abs3A_402 : vector<16xf32>
    %broadcast_in_dim3A_404 = arith.constant 2 : i32
    %broadcast_in_dim3A_405 = vector.broadcast %broadcast_in_dim3A_404 : i32 to vector<16xi32>
    %gather3A_406 = tpu.vector_load_idx %arg12[%broadcast_in_dim3A_405, %broadcast_in_dim3A_310, %get3A_387] : memref<3x1x500xf32, #tpu.memory_space<vmem>>[vector<16xi32>, vector<16xi32>, vector<16xi32>], vector<16xf32>,
    %gather3A_407 = tpu.vector_load_idx %arg13[%broadcast_in_dim3A_405, %broadcast_in_dim3A_310, %get3A_389] : memref<3x1x64xf32, #tpu.memory_space<vmem>>[vector<16xi32>, vector<16xi32>, vector<16xi32>], vector<16xf32>,
    %sub3A_408 = arith.subf %gather3A_406, %gather3A_407 : vector<16xf32>
    %abs3A_409 = math.absf %sub3A_408 : vector<16xf32>
    %add3A_410 = arith.addf %add3A_403, %abs3A_409 : vector<16xf32>
    %swap3A = arith.constant 0 : i32
    %swap3A_411 = arith.index_cast %swap3A : i32 to index
    %swap3A_412 = arith.constant 0 : index
    %swap3A_413 = tpu.vector_load %arg17[%swap3A_411, %swap3A_412] {strides = array<i32>} : memref<2x16xf32, #tpu.memory_space<vmem>>, vector<16xf32>,
    tpu.vector_store %arg17[%swap3A_411, %swap3A_412], %add3A_308 {strides = array<i32>} : memref<2x16xf32, #tpu.memory_space<vmem>>, vector<16xf32>,
    %swap3A_414 = arith.constant 1 : i32
    %swap3A_415 = arith.index_cast %swap3A_414 : i32 to index
    %swap3A_416 = arith.constant 0 : index
    %swap3A_417 = tpu.vector_load %arg17[%swap3A_415, %swap3A_416] {strides = array<i32>} : memref<2x16xf32, #tpu.memory_space<vmem>>, vector<16xf32>,
    tpu.vector_store %arg17[%swap3A_415, %swap3A_416], %add3A_410 {strides = array<i32>} : memref<2x16xf32, #tpu.memory_space<vmem>>, vector<16xf32>,
    "tpu.region"() ({
      %run_scoped3A = tpu.sem_alloc : memref<!tpu.dma_semaphore, #tpu.memory_space<semaphore_mem>>
      %dma_start3A_421 = arith.constant 0 : i32
      %dma_start3A_422 = arith.constant 0 : i32
      %dma_start3A_423 = tpu.memref_slice %arg8[%arg1, %dma_start3A_421, %dma_start3A_422] : memref<16x2x16xf32, #tpu.memory_space<hbm>> -> memref<1x2x16xf32, #tpu.memory_space<hbm>>
      %dma_start3A_424 = tpu.memref_squeeze %dma_start3A_423 : memref<1x2x16xf32, #tpu.memory_space<hbm>> -> memref<2x16xf32, #tpu.memory_space<hbm>>
      %dma_start3A_425 = arith.constant 0 : i32
      %dma_start3A_426 = arith.constant 0 : i32
      %dma_start3A_427 = tpu.memref_slice %arg8[%arg1, %dma_start3A_425, %dma_start3A_426] : memref<16x2x16xf32, #tpu.memory_space<hbm>> -> memref<1x2x16xf32, #tpu.memory_space<hbm>>
      %dma_start3A_428 = tpu.memref_squeeze %dma_start3A_427 : memref<1x2x16xf32, #tpu.memory_space<hbm>> -> memref<2x16xf32, #tpu.memory_space<hbm>>
      tpu.enqueue_dma source(%arg17 : memref<2x16xf32, #tpu.memory_space<vmem>>) target(%dma_start3A_428 : memref<2x16xf32, #tpu.memory_space<hbm>>) target_semaphore(%run_scoped3A : memref<!tpu.dma_semaphore, #tpu.memory_space<semaphore_mem>>)
      %dma_wait3A_429 = arith.constant 0 : i32
      %dma_wait3A_430 = arith.constant 0 : i32
      %dma_wait3A_431 = tpu.memref_slice %arg8[%arg1, %dma_wait3A_429, %dma_wait3A_430] : memref<16x2x16xf32, #tpu.memory_space<hbm>> -> memref<1x2x16xf32, #tpu.memory_space<hbm>>
      %dma_wait3A_432 = tpu.memref_squeeze %dma_wait3A_431 : memref<1x2x16xf32, #tpu.memory_space<hbm>> -> memref<2x16xf32, #tpu.memory_space<hbm>>
      %dma_wait3A_433 = arith.constant 0 : i32
      %dma_wait3A_434 = arith.constant 0 : i32
      %dma_wait3A_435 = tpu.memref_slice %arg8[%arg1, %dma_wait3A_433, %dma_wait3A_434] : memref<16x2x16xf32, #tpu.memory_space<hbm>> -> memref<1x2x16xf32, #tpu.memory_space<hbm>>
      %dma_wait3A_436 = tpu.memref_squeeze %dma_wait3A_435 : memref<1x2x16xf32, #tpu.memory_space<hbm>> -> memref<2x16xf32, #tpu.memory_space<hbm>>
      tpu.wait_dma2 semaphore(%run_scoped3A : memref<!tpu.dma_semaphore, #tpu.memory_space<semaphore_mem>>) src(%arg17 : memref<2x16xf32, #tpu.memory_space<vmem>>) dst(%dma_wait3A_436 : memref<2x16xf32, #tpu.memory_space<hbm>>)
      tpu.yield
    }) : () -> ()
    %barrier3A = arith.constant 0 : index
    tpu.barrier barrier_id(%barrier3A)
    %eq3A = arith.constant 0 : i32
    %eq3A_418 = arith.cmpi eq, %arg1, %eq3A : i32
    %convert_element_type3A_419 = arith.extui %eq3A_418 : i1 to i32
    %cond3A = arith.constant 0 : i32
    %cond3A_420 = arith.cmpi ne, %convert_element_type3A_419, %cond3A : i32
    scf.if %cond3A_420 {
      "tpu.region"() ({
        %run_scoped3A = tpu.sem_alloc : memref<!tpu.dma_semaphore, #tpu.memory_space<semaphore_mem>>
        tpu.enqueue_dma source(%arg8 : memref<16x2x16xf32, #tpu.memory_space<hbm>>) target(%arg18 : memref<16x2x16xf32, #tpu.memory_space<vmem>>) target_semaphore(%run_scoped3A : memref<!tpu.dma_semaphore, #tpu.memory_space<semaphore_mem>>)
        tpu.wait_dma2 semaphore(%run_scoped3A : memref<!tpu.dma_semaphore, #tpu.memory_space<semaphore_mem>>) src(%arg8 : memref<16x2x16xf32, #tpu.memory_space<hbm>>) dst(%arg18 : memref<16x2x16xf32, #tpu.memory_space<vmem>>)
        tpu.yield
      }) : () -> ()
      %scan3A_421 = arith.constant 0 : i32
      %scan3A_422 = arith.constant 16 : i32
      %scan3A_423 = arith.addi %scan3A_421, %scan3A_422 : i32
      %scan3A_424 = arith.constant 1 : i32
      %scan3A_425:2 = scf.for %scan3A_452 = %scan3A_421 to %scan3A_423 step %scan3A_424 iter_args(%scan3A_453 = %broadcast_in_dim3A_0, %scan3A_454 = %broadcast_in_dim3A_0) -> (vector<16xf32>, vector<16xf32>)  : i32 {
        %get3A_455 = arith.constant 0 : i32
        %get3A_456 = arith.index_cast %scan3A_452 : i32 to index
        %get3A_457 = arith.index_cast %get3A_455 : i32 to index
        %get3A_458 = arith.constant 0 : index
        %get3A_459 = tpu.vector_load %arg18[%get3A_456, %get3A_457, %get3A_458] {strides = array<i32>} : memref<16x2x16xf32, #tpu.memory_space<vmem>>, vector<16xf32>,
        %add3A_460 = arith.addf %scan3A_453, %get3A_459 : vector<16xf32>
        %get3A_461 = arith.constant 1 : i32
        %get3A_462 = arith.index_cast %scan3A_452 : i32 to index
        %get3A_463 = arith.index_cast %get3A_461 : i32 to index
        %get3A_464 = arith.constant 0 : index
        %get3A_465 = tpu.vector_load %arg18[%get3A_462, %get3A_463, %get3A_464] {strides = array<i32>} : memref<16x2x16xf32, #tpu.memory_space<vmem>>, vector<16xf32>,
        %add3A_466 = arith.addf %scan3A_454, %get3A_465 : vector<16xf32>
        scf.yield %add3A_460, %add3A_466 : vector<16xf32>, vector<16xf32>
      }
      %scan3A_426 = arith.constant 16 : i32
      %reduce_sum3A = arith.constant true
      %reduce_sum3A_427 = vector.broadcast %reduce_sum3A : i1 to vector<16xi1>
      %reduce_sum3A_428 = tpu.scan <sum>, %scan3A_425#0 masked %reduce_sum3A_427 : vector<16xf32>, vector<16xi1> -> vector<16xf32>
      %reduce_sum3A_429 = vector.extract %reduce_sum3A_428[15] : f32 from vector<16xf32>
      %mul3A_430 = arith.constant 1.250000e-04 : f32
      %mul3A_431 = arith.mulf %reduce_sum3A_429, %mul3A_430 : f32
      %reduce_sum3A_432 = arith.constant true
      %reduce_sum3A_433 = vector.broadcast %reduce_sum3A_432 : i1 to vector<16xi1>
      %reduce_sum3A_434 = tpu.scan <sum>, %scan3A_425#1 masked %reduce_sum3A_433 : vector<16xf32>, vector<16xi1> -> vector<16xf32>
      %reduce_sum3A_435 = vector.extract %reduce_sum3A_434[15] : f32 from vector<16xf32>
      %mul3A_436 = arith.constant 9.765625E-4 : f32
      %mul3A_437 = arith.mulf %reduce_sum3A_435, %mul3A_436 : f32
      %eq3A_438 = arith.constant 0 : i32
      %eq3A_439 = vector.broadcast %eq3A_438 : i32 to vector<16xi32>
      %eq3A_440 = arith.cmpi eq, %iota3A, %eq3A_439 : vector<16xi32>
      %eq3A_441 = arith.constant 1 : i32
      %eq3A_442 = vector.broadcast %eq3A_441 : i32 to vector<16xi32>
      %eq3A_443 = arith.cmpi eq, %iota3A, %eq3A_442 : vector<16xi32>
      %jit3A_444 = arith.constant 0.000000e+00 : f32
      %broadcast_in_dim3A_445 = vector.broadcast %mul3A_437 : f32 to vector<16xf32>
      %broadcast_in_dim3A_446 = vector.broadcast %jit3A_444 : f32 to vector<16xf32>
      %select_n3A_447 = arith.select %eq3A_443, %broadcast_in_dim3A_445, %broadcast_in_dim3A_446 : vector<16xi1>, vector<16xf32>
      %broadcast_in_dim3A_448 = vector.broadcast %mul3A_431 : f32 to vector<16xf32>
      %select_n3A_449 = arith.select %eq3A_440, %broadcast_in_dim3A_448, %select_n3A_447 : vector<16xi1>, vector<16xf32>
      %swap3A_450 = arith.constant 0 : index
      %swap3A_451 = tpu.vector_load %arg19[%swap3A_450] {strides = array<i32>} : memref<16xf32, #tpu.memory_space<vmem>>, vector<16xf32>,
      tpu.vector_store %arg19[%swap3A_450], %select_n3A_449 {strides = array<i32>} : memref<16xf32, #tpu.memory_space<vmem>>, vector<16xf32>,
      "tpu.region"() ({
        %run_scoped3A = tpu.sem_alloc : memref<!tpu.dma_semaphore, #tpu.memory_space<semaphore_mem>>
        tpu.enqueue_dma source(%arg19 : memref<16xf32, #tpu.memory_space<vmem>>) target(%arg9 : memref<16xf32, #tpu.memory_space<hbm>>) target_semaphore(%run_scoped3A : memref<!tpu.dma_semaphore, #tpu.memory_space<semaphore_mem>>)
        tpu.wait_dma2 semaphore(%run_scoped3A : memref<!tpu.dma_semaphore, #tpu.memory_space<semaphore_mem>>) src(%arg19 : memref<16xf32, #tpu.memory_space<vmem>>) dst(%arg9 : memref<16xf32, #tpu.memory_space<hbm>>)
        tpu.yield
      }) : () -> ()
    } else {
    }
    return
  }
}

</mosaic_0001>

<sc_bundles>
// kernel: kernel.3.cloned.1.call-start
scs
__scs_entry_jumppad:
0x0: {  	(pc) =	sbr.rel $0x88, $3  }
0x1: {  	(tag) =	ssettag $0x0;
	lr =	simm.s32 $0x1  }
0x2: {  	[smem:$0x3F9B] =	sst lr;
	_ =	strace $0xD0000000  }
0x3: {  	_ = 	snop  }
0x4: {  	_ = 	snop  }
0x5: {  	_ = 	snop  }
0x6: {  	_ = 	snop  }
0x7: {  	_ = 	snop  }
__scs_overlays_trampoline_lowered:
0x8: {  	[smem:$0x3FAA] =	sst s0  }
0x9: {  	[smem:$0x3FAB] =	sst s1  }
0xa: {  	[smem:$0x3FAC] =	sst s2  }
0xb: {  	[smem:$0x3FAD] =	sst s3  }
0xc: {  	[smem:$0x3FAE] =	sst s4  }
0xd: {  	[smem:$0x3FAF] =	sst s5  }
0xe: {  	[smem:$0x3FB0] =	sst s6  }
0xf: {  	[smem:$0x3FB1] =	sst s7  }
0x10: {  	[smem:$0x3FB2] =	sst s8  }
0x11: {  	[smem:$0x3FB3] =	sst s9;
	s0 =	simm.s32 @!p0 $0x0  }
0x12: {  	s1 =	sld [smem:$0x3F99];
	s0 =	simm.s32 @p0 $0x1  }
0x13: {  	[smem:$0x3FB4] =	sst s0;
	s0 =	simm.s32 @!p1 $0x0  }
0x14: {  	s2 =	sld [smem:$0x3F98];
	s0 =	simm.s32 @p1 $0x1  }
0x15: {  	[smem:$0x3FB5] =	sst s0;
	s0 =	simm.s32 @!p2 $0x0  }
0x16: {  	s3 =	sld [smem:$0x3FDB];
	s0 =	simm.s32 @p2 $0x1  }
0x17: {  	s4 =	simm.s32 $0x1BF5;
	[smem:$0x3FB7] =	sst s0  }
0x18: {  	s0 =	sld [smem:$0x3F9A];
	_ =	swait.ge [sflag:s4], $0x0  }
0x19: {  	s7 =	sld [smem:$0x3F9B]  }
0x1a: {  	s8 =	sadd.s32 $0xFFFFE003, lr  }
0x1b: {  	s9 =	sadd.s32 $0xFFFFFEF7, lr;
	s5 =	simm.s32 $0xFFFFFFFF;
	p2 =	slt.u32 s8, $0xFFFFF086  }
0x1c: {  	p1 =	slt.u32 s9, $0xF7A;
	s5 =	simm.s32 @!p2 $0x0  }
0x1d: {  	s5 =	simm.s32 @p1 $0x1;
	p0 =	seq.s32 s7, s2  }
0x1e: {  	s7 =	smul.u32 @!p0 $0xF7A, s2;
	p2 =	seq.s32 @!p0 s5, $0x0  }
0x1f: {  	s9 =	smul.u32 $0xF7A, s1;
	s8 =	simm.s32 @!p0 $0x1BF5;
	p2 =	por !p2, p0  }
0x20: {  	[sflag:s8] =	ssyncset.s32 @!p0 $0xFFFFF086;
	s6 =	sadd.s32 @!p0 s3, s7;
	s7 =	simm.s32 @!p0 $0x108  }
0x21: {  	s3 =	sadd.s32 s3, s9;
	s6 =	sadd.s32 @!p0 $0x88, s6;
	s7 =	simm.s32 @p2 $0x1082  }
0x22: {  	[simem:s7], [sflag:s8] =	dma.local @!p0 [hbm:s6], $0xF7A  }
0x23: {  	s9 =	sor.u32 $0xD0000000, s2;
	s6 =	simm.s32 $0x108;
	_ =	swait.ge @!p0 [sflag:s8], $0x0  }
0x24: {  	s3 =	sadd.s32 $0x88, s3;
	s6 =	simm.s32 @!p1 $0x1082;
	[sflag:s4] =	ssyncset.s32 $0xFFFFF086  }
0x25: {  	[simem:s6], [sflag:s4] =	dma.local [hbm:s3], $0xF7A  }
0x26: {  	[smem:$0x3F9B] =	sst s1;
	(tag) =	ssettag s2;
	_ =	strace s9  }
0x27: {  	s1 =	sld [smem:$0x3FAB]  }
0x28: {  	s2 =	sld [smem:$0x3FAC]  }
0x29: {  	s4 =	sld [smem:$0x3FAE]  }
0x2a: {  	p0 =	seq.s32 s5, $0x0;
	s5 =	sld [smem:$0x3FAF]  }
0x2b: {  	s6 =	sld [smem:$0x3FB0]  }
0x2c: {  	s7 =	sld [smem:$0x3FB1]  }
0x2d: {  	s3 =	simm.s32 $0x108;
	s8 =	sld [smem:$0x3FB2]  }
0x2e: {  	s3 =	simm.s32 @!p0 $0x1082;
	s9 =	sld [smem:$0x3FB3]  }
0x2f: {  	lr =	sadd.s32 s0, s3;
	s0 =	sld [smem:$0x3FAA]  }
0x30: {  	s3 =	sld [smem:$0x3FAD]  }
0x31: {  	[smem:$0x3FB6] =	sst s10  }
0x32: {  	s10 =	sld [smem:$0x3FB4];
	_ =	sdelay $0x3  }
0x33: {  	p0 =	seq.s32 s10, $0x1;
	s10 =	sld [smem:$0x3FB6];
	_ =	sdelay $0x3  }
0x34: {  	[smem:$0x3FB6] =	sst s10  }
0x35: {  	s10 =	sld [smem:$0x3FB5];
	_ =	sdelay $0x3  }
0x36: {  	p1 =	seq.s32 s10, $0x1;
	s10 =	sld [smem:$0x3FB6];
	_ =	sdelay $0x3  }
0x37: {  	[smem:$0x3FB6] =	sst s10  }
0x38: {  	s10 =	sld [smem:$0x3FB7]  }
0x39: {  	_ = 	snop;
	(pc) =	sbr.ind lr, $3  }
0x3a: {  	_ = 	snop  }
0x3b: {  	_ = 	snop  }
0x3c: {  	p2 =	seq.s32 s10, $0x1;
	s10 =	sld [smem:$0x3FB6]  }
0x3d: {  	_ =	shalt  }
0x3e: {  	_ =	shalt  }
0x3f: {  	_ =	shalt  }
0x40: {  	_ =	shalt  }
0x41: {  	_ =	shalt  }
0x42: {  	_ =	shalt  }
0x43: {  	_ =	shalt  }
0x44: {  	_ =	shalt  }
0x45: {  	_ =	shalt  }
0x46: {  	_ =	shalt  }
0x47: {  	_ =	shalt  }
0x48: {  	_ =	shalt  }
0x49: {  	_ =	shalt  }
0x4a: {  	_ =	shalt  }
0x4b: {  	_ =	shalt  }
0x4c: {  	_ =	shalt  }
0x4d: {  	_ =	shalt  }
0x4e: {  	_ =	shalt  }
0x4f: {  	_ =	shalt  }
0x50: {  	_ =	shalt  }
0x51: {  	_ =	shalt  }
0x52: {  	_ =	shalt  }
0x53: {  	_ =	shalt  }
0x54: {  	_ =	shalt  }
0x55: {  	_ =	shalt  }
0x56: {  	_ =	shalt  }
0x57: {  	_ =	shalt  }
0x58: {  	_ =	shalt  }
0x59: {  	_ =	shalt  }
0x5a: {  	_ =	shalt  }
0x5b: {  	_ =	shalt  }
0x5c: {  	_ =	shalt  }
0x5d: {  	_ =	shalt  }
0x5e: {  	_ =	shalt  }
0x5f: {  	_ =	shalt  }
0x60: {  	_ =	shalt  }
0x61: {  	_ =	shalt  }
0x62: {  	_ =	shalt  }
0x63: {  	_ =	shalt  }
0x64: {  	_ =	shalt  }
0x65: {  	_ =	shalt  }
0x66: {  	_ =	shalt  }
0x67: {  	_ =	shalt  }
0x68: {  	_ =	shalt  }
0x69: {  	_ =	shalt  }
0x6a: {  	_ =	shalt  }
0x6b: {  	_ =	shalt  }
0x6c: {  	_ =	shalt  }
0x6d: {  	_ =	shalt  }
0x6e: {  	_ =	shalt  }
0x6f: {  	_ =	shalt  }
0x70: {  	_ =	shalt  }
0x71: {  	_ =	shalt  }
0x72: {  	_ =	shalt  }
0x73: {  	_ =	shalt  }
0x74: {  	_ =	shalt  }
0x75: {  	_ =	shalt  }
0x76: {  	_ =	shalt  }
0x77: {  	_ =	shalt  }
0x78: {  	_ =	shalt  }
0x79: {  	_ =	shalt  }
0x7a: {  	_ =	shalt  }
0x7b: {  	_ =	shalt  }
0x7c: {  	_ =	shalt  }
0x7d: {  	_ =	shalt  }
0x7e: {  	_ =	shalt  }
0x7f: {  	_ =	shalt  }
0x80: {  	_ =	shalt  }
0x81: {  	_ =	shalt  }
0x82: {  	_ =	shalt  }
0x83: {  	_ =	shalt  }
0x84: {  	_ =	shalt  }
0x85: {  	_ =	shalt  }
0x86: {  	_ =	shalt  }
0x87: {  	_ =	shalt  }
.Lfunc_end0:
.L_simem_size_0:
called_computation_lowered:
.L_overlay_start_0:
0x88: {  	s0 =	sld [smem:$0x3FD9]  }
0x89: {  	s1 =	sld [smem:$0x3FFE];
	_ =	sdelay $0x3  }
0x8a: {  	s0 =	sadd.s32 s1, s0  }
0x8b: {  	[smem:$0x3FC2] =	sst s0  }
0x8c: {  	_ = 	snop  }
0x8d: {  	s0 =	sld [smem:$0x3FC9]  }
0x8e: {  	s13 =	sld [smem:$0x3FC8]  }
0x8f: {  	s2 =	sld [smem:$0x3FC7]  }
0x90: {  	s3 =	sld [smem:$0x3FD0]  }
0x91: {  	s4 =	sld [smem:$0x3FC6]  }
0x92: {  	s5 =	sld [smem:$0x3FC5]  }
0x93: {  	s7 =	simm.s32 $0xA;
	s8 =	simm.s32 $0x10;
	s6 =	sld [smem:$0x3FC4]  }
0x94: {  	[smem:s8], [sflag:s7] =	dma.local [hbm:s3], $0x1  }
0x95: {  	_ =	swait.eq [sflag:s7], $0x1  }
0x96: {  	[sflag:s7] =	ssyncset.done $0x0  }
0x97: {  	[sflag:s7] =	ssyncadd.s32 $0xFFFFFFFF  }
0x98: {  	s14 =	sld [smem:$0x10];
	(tm) =	ssettm $0x1  }
0x99: {  	s15 =	sld [smem:$0x3FFB];
	_ =	sdelay $0x3  }
0x9a: {  	_ =	strace s15  }
0x9b: {  	s7 =	sld [smem:$0x3FFC];
	_ =	sdelay $0x3  }
0x9c: {  	_ =	strace s7  }
0x9d: {  	s7 =	sld [smem:$0x3FFD];
	_ =	sdelay $0x3  }
0x9e: {  	_ =	strace s7  }
0x9f: {  	_ =	strace $0x8FFFFFFF  }
0xa0: {  	s16 =	sld [smem:$0x3FDB];
	_ =	sdelay $0x1  }
0xa1: {  	s17 =	simm.s32 $_scs_section_size  }
0xa2: {  	s9 =	simm.s32 $_size__tile_overlayer_lowered;
	s10 =	simm.s32 $_tile_overlayer_lowered  }
0xa3: {  	s20 =	simm.s32 $0x1BFF;
	s19 =	sshll.u32 s10, $0x1;
	s7 =	sadd.s32 s17, s16  }
0xa4: {  	s11 =	simm.s32 $0x0;
	s18 =	sshll.u32 s9, $0x1;
	s9 =	sadd.s32 s19, s7  }
0xa5: {  	[timem:s11], [sflag:s20] =	dma.local [hbm:s9], s18  }
0xa6: {  	_ =	swait.ge [sflag:s20], s18  }
0xa7: {  	s8 =	ssub.s32 $0x0, s18;
	[sflag:s20] =	ssyncset.done $0x0  }
0xa8: {  	[sflag:s20] =	ssyncadd.s32 s8;
	_ =	sdelay $0x1  }
0xa9: {  	s21 =	simm.s32 $0x1B8B  }
0xaa: {  	_ =	swait.ge [sflag:s21], $0x1  }
0xab: {  	[sflag:s21] =	ssyncset.done $0x0  }
0xac: {  	s23 =	simm.s32 $0x1B8E;
	s22 =	sld [smem:$0x3FFE];
	[sflag:s21] =	ssyncadd.s32 $0xFFFFFFFF  }
0xad: {  	s24 =	simm.s32 $execute0_lowered;
	[smem:$0x3FD2] =	sst s23  }
0xae: {  	s9 =	sshll.u32 s24, $0x1;
	_ =	strace $0x80000046;
	[dreg:$0x1] =	wrdreg $0xFFFFFFFF  }
0xaf: {  	s25 =	simm.s32 $_size_execute0_lowered;
	s7 =	sadd.s32 s7, s9;
	[dreg:$0x0] =	wrdreg $0x0  }
0xb0: {  	s9 =	sshll.u32 s25, $0x1;
	[dreg:$0x2] =	wrdreg s7  }
0xb1: {  	[dreg:$0x3] =	wrdreg s9  }
0xb2: {  	[dreg:$0x4] =	wrdreg $0xC0  }
0xb3: {  	_ =	task [dreg:s11], $0x5FFFF  }
0xb4: {  	[dreg:$0x1] =	wrdreg $0xFFFFFFFF  }
0xb5: {  	[dreg:$0x0] =	wrdreg $0x60  }
0xb6: {  	[dreg:$0x2] =	wrdreg s0  }
0xb7: {  	[dreg:$0x3] =	wrdreg s13  }
0xb8: {  	[dreg:$0x4] =	wrdreg s2  }
0xb9: {  	[dreg:$0x5] =	wrdreg s4  }
0xba: {  	[dreg:$0x6] =	wrdreg s5  }
0xbb: {  	[dreg:$0x7] =	wrdreg s6  }
0xbc: {  	[dreg:$0x8] =	wrdreg s22  }
0xbd: {  	[dreg:$0x9] =	wrdreg s14  }
0xbe: {  	[dreg:$0xa] =	wrdreg $0x9  }
0xbf: {  	_ =	task.clear_ibuf [dreg:s11], $0xBFFFF;
	_ =	strace $0x90000046  }
0xc0: {  	s26 =	simm.s32 $0x9;
	_ =	strace $0x80000048  }
0xc1: {  	_ =	swait.ge [sflag:s26], $0x1  }
0xc2: {  	[sflag:s26] =	ssyncadd.s32 $0xFFFFFFFF  }
0xc3: {  	_ =	strace $0x90000048  }
0xc4: {  	_ =	sfence  }
0xc5: {  	s28 =	sld [smem:$0x0];
	_ =	sdelay $0x1  }
0xc6: {  	s29 =	srdreg.scid  }
0xc7: {  	s30 =	sshll.u32 s29, $0xD;
	s31 =	sshrl.u32 s29, $0x2  }
0xc8: {  	s1 =	sand.u32 $0x1, s29;
	s2 =	sand.u32 $0x4000, s30;
	s0 =	sadd.s32 s31, s28  }
0xc9: {  	s1 =	sor.u32 s2, s1;
	s0 =	sshll.u32 s0, $0x11  }
0xca: {  	s0 =	sor.u32 s0, s1  }
0xcb: {  	s0 =	sadd.s32 $0x8F2B, s0  }
0xcc: {  	[sflag:s0] =	ssyncadd.remote.s32 $0x1  }
0xcd: {  	_ =	sfence.sel $0xFFFF  }
0xce: {  	[dreg:$0x0] =	wrdreg $0xFFFFFFFF;
	(pc) =	sbr.abs _section_cstart, $3  }
0xcf: {  	[dreg:$0x1] =	wrdreg $0xFFFFFFFF  }
0xd0: {  	_ =	task.clear_ibuf [dreg:s11], $0x2FFFF;
	_ =	strace $0x9FFFFFFF  }
0xd1: {  	(tm) =	ssettm $0x7FFFFFFF  }
tec
execute0_lowered:
.L_overlay_start_1:
0x0: {  	(tag) =	ssettag $0x1  }
0x1: {  	s4 =	rddreg [dreg:$0x0]  }
0x2: {  	s5 =	rddreg [dreg:$0x1]  }
0x3: {  	s6 =	rddreg [dreg:$0x2]  }
0x4: {  	s7 =	rddreg [dreg:$0x3]  }
0x5: {  	s8 =	rddreg [dreg:$0x4]  }
0x6: {  	s9 =	rddreg [dreg:$0x5];
	s2 =	stileid.u32  }
0x7: {  	s3 =	rddreg [dreg:$0x6];
	s10 =	sshrl.u32 s2, $0x3;
	s0 =	sshll.u32 s2, $0x7  }
0x8: {  	s1 =	rddreg [dreg:$0x7];
	s11 =	sshll.u32 s10, $0xA;
	s12 =	sand.u32 $0x380, s0  }
0x9: {  	s13 =	simm.s32 $0x0;
	s14 =	simm.s32 $0xC80;
	s11 =	sor.u32 s12, s11  }
0xa: {  	[smem:$0x7FF] =	sst s13;
	s31 =	sshll.u32 s2, $0x6;
	s11 =	sshrl.u32 s11, $0x3  }
0xb: {  	s0 =	rddreg [dreg:$0x8];
	_ =	strace $0x80000047;
	s8 =	sadd.s32 s8, s11  }
0xc: {  	[tilespmem:s14], [sflag:$0x1] =	stream.linear.gather [hbm4b:s8+s13], $0x80, $0x38;
	[tilespmem:$0x1F00] =	vst v63  }
0xd: {  	s10 =	sshll.u32 s10, $0xC;
	s9 =	sadd.s32 s9, s11;
	s14 =	simm.s32 $0xD00  }
0xe: {  	[tilespmem:s14], [sflag:$0x1] =	stream.linear.gather [hbm4b:s9+s13], $0x80, $0x38;
	[tilespmem:$0x1F00] =	vst v63  }
0xf: {  	s16 =	simm.s32 $0xC00;
	s4 =	sadd.s32 s4, s31;
	s10 =	sor.u32 s12, s10  }
0x10: {  	[tilespmem:s13], [sflag:$0x1] =	stream.linear.gather [hbm4b:s4+s13], $0x200, $0x38;
	[tilespmem:$0x1F00] =	vst v63  }
0x11: {  	s17 =	simm.s32 $0x80;
	s15 =	sshrl.u32 s10, $0x3;
	s7 =	sadd.s32 s7, s11  }
0x12: {  	[tilespmem:s16], [sflag:$0x1] =	stream.linear.gather [hbm4b:s7+s13], $0x80, $0x38;
	[tilespmem:$0x1F00] =	vst v63  }
0x13: {  	s18 =	simm.s32 $0x400;
	s19 =	simm.s32 $0x480;
	s5 =	sadd.s32 s5, s15  }
0x14: {  	[tilespmem:s19], [sflag:$0x1] =	stream.strided.gather [hbm4b:s5+s17], $0x200, s18, s17, $0x38;
	[tilespmem:$0x1F00] =	vst v63  }
0x15: {  	s21 =	simm.s32 $0x680;
	s20 =	sadd.s32 $0x400, s5  }
0x16: {  	[tilespmem:s21], [sflag:$0x1] =	stream.strided.gather [hbm4b:s20+s17], $0x200, s18, s17, $0x38;
	[tilespmem:$0x1F00] =	vst v63  }
0x17: {  	s22 =	simm.s32 $0x880;
	s5 =	sadd.s32 $0x800, s5  }
0x18: {  	[tilespmem:s22], [sflag:$0x1] =	stream.strided.gather [hbm4b:s5+s17], $0x200, s18, s17, $0x38;
	[tilespmem:$0x1F00] =	vst v63  }
0x19: {  	s24 =	simm.s32 $0xA80;
	s23 =	sadd.s32 s6, s11  }
0x1a: {  	[tilespmem:s24], [sflag:$0x1] =	stream.linear.gather [hbm4b:s23+s13], $0x80, $0x38;
	[tilespmem:$0x1F00] =	vst v63  }
0x1b: {  	s26 =	simm.s32 $0xB00;
	s25 =	sadd.s32 $0x100, s23  }
0x1c: {  	[tilespmem:s26], [sflag:$0x1] =	stream.linear.gather [hbm4b:s25+s13], $0x80, $0x38;
	[tilespmem:$0x1F00] =	vst v63  }
0x1d: {  	s28 =	simm.s32 $0xB80;
	s5 =	sadd.s32 $0x200, s23  }
0x1e: {  	v0 =	vimm.f32 $0.0e+00;
	[tilespmem:s28], [sflag:$0x1] =	stream.linear.gather [hbm4b:s5+s13], $0x80, $0x38;
	[tilespmem:$0x1F00] =	vst v63  }
0x1f: {  	[tilespmem:$0x200] =	vst v0  }
0x20: {  	[tilespmem:$0x210] =	vst v0  }
0x21: {  	[tilespmem:$0x220] =	vst v0  }
0x22: {  	[tilespmem:$0x230] =	vst v0  }
0x23: {  	[tilespmem:$0x240] =	vst v0  }
0x24: {  	[tilespmem:$0x250] =	vst v0  }
0x25: {  	[tilespmem:$0x260] =	vst v0  }
0x26: {  	[tilespmem:$0x270] =	vst v0  }
0x27: {  	[tilespmem:$0x280] =	vst v0  }
0x28: {  	[tilespmem:$0x290] =	vst v0  }
0x29: {  	[tilespmem:$0x2A0] =	vst v0  }
0x2a: {  	[tilespmem:$0x2B0] =	vst v0  }
0x2b: {  	[tilespmem:$0x2C0] =	vst v0  }
0x2c: {  	[tilespmem:$0x2D0] =	vst v0  }
0x2d: {  	[tilespmem:$0x2E0] =	vst v0  }
0x2e: {  	[tilespmem:$0x2F0] =	vst v0  }
0x2f: {  	[tilespmem:$0x300] =	vst v0  }
0x30: {  	[tilespmem:$0x310] =	vst v0  }
0x31: {  	[tilespmem:$0x320] =	vst v0  }
0x32: {  	[tilespmem:$0x330] =	vst v0  }
0x33: {  	[tilespmem:$0x340] =	vst v0  }
0x34: {  	[tilespmem:$0x350] =	vst v0  }
0x35: {  	[tilespmem:$0x360] =	vst v0  }
0x36: {  	[tilespmem:$0x370] =	vst v0  }
0x37: {  	[tilespmem:$0x380] =	vst v0  }
0x38: {  	[tilespmem:$0x390] =	vst v0  }
0x39: {  	[tilespmem:$0x3A0] =	vst v0  }
0x3a: {  	[tilespmem:$0x3B0] =	vst v0  }
0x3b: {  	[tilespmem:$0x3C0] =	vst v0  }
0x3c: {  	[tilespmem:$0x3D0] =	vst v0  }
0x3d: {  	[tilespmem:$0x3E0] =	vst v0  }
0x3e: {  	s29 =	simm.s32 $0x1;
	[tilespmem:$0x3F0] =	vst v0  }
0x3f: {  	_ =	swait.ge [sflag:s29], $0x80  }
0x40: {  	[sflag:s29] =	ssyncset.done $0x0  }
0x41: {  	[sflag:s29] =	ssyncadd.s32 $0xFFFFFF80  }
0x42: {  	_ =	swait.ge [sflag:s29], $0x80  }
0x43: {  	[sflag:s29] =	ssyncset.done $0x0  }
0x44: {  	[sflag:s29] =	ssyncadd.s32 $0xFFFFFF80  }
0x45: {  	_ =	swait.ge [sflag:s29], $0x200  }
0x46: {  	[sflag:s29] =	ssyncset.done $0x0  }
0x47: {  	[sflag:s29] =	ssyncadd.s32 $0xFFFFFE00  }
0x48: {  	_ =	swait.ge [sflag:s29], $0x80  }
0x49: {  	[sflag:s29] =	ssyncset.done $0x0  }
0x4a: {  	[sflag:s29] =	ssyncadd.s32 $0xFFFFFF80  }
0x4b: {  	_ =	swait.ge [sflag:s29], $0x200  }
0x4c: {  	[sflag:s29] =	ssyncset.done $0x0  }
0x4d: {  	[sflag:s29] =	ssyncadd.s32 $0xFFFFFE00  }
0x4e: {  	_ =	swait.ge [sflag:s29], $0x200  }
0x4f: {  	[sflag:s29] =	ssyncset.done $0x0  }
0x50: {  	[sflag:s29] =	ssyncadd.s32 $0xFFFFFE00  }
0x51: {  	_ =	swait.ge [sflag:s29], $0x200  }
0x52: {  	[sflag:s29] =	ssyncset.done $0x0  }
0x53: {  	[sflag:s29] =	ssyncadd.s32 $0xFFFFFE00  }
0x54: {  	_ =	swait.ge [sflag:s29], $0x80  }
0x55: {  	[sflag:s29] =	ssyncset.done $0x0  }
0x56: {  	[sflag:s29] =	ssyncadd.s32 $0xFFFFFF80  }
0x57: {  	_ =	swait.ge [sflag:s29], $0x80  }
0x58: {  	[sflag:s29] =	ssyncset.done $0x0  }
0x59: {  	[sflag:s29] =	ssyncadd.s32 $0xFFFFFF80  }
0x5a: {  	_ =	swait.ge [sflag:s29], $0x80  }
0x5b: {  	[sflag:s29] =	ssyncset.done $0x0  }
0x5c: {  	[sflag:s29] =	ssyncadd.s32 $0xFFFFFF80  }
0x5d: {  	v1 =	vld [tilespmem:$0xD00];
	_ =	sdelay $0x6  }
0x5e: {  	v2 =	vld [tilespmem:$0xC80]  }
0x5f: {  	v1 =	vld.idx.msk [tilespmem:v1+s16+$0x0], $0xffff;
	_ =	sdelay $0x4  }
0x60: {  	v1 =	vcvt.s32.f32 v1  }
0x61: {  	s30 =	simm.s32 $0x200  }
0x62: {  	[tilespmem:v2+s30+$0x0] =	vst.idx.msk $0xffff, v1  }
0x63: {  	v1 =	vld [tilespmem:$0xD10];
	_ =	sdelay $0x6  }
0x64: {  	v2 =	vld [tilespmem:$0xC90]  }
0x65: {  	v1 =	vld.idx.msk [tilespmem:v1+s16+$0x0], $0xffff;
	_ =	sdelay $0x4  }
0x66: {  	v1 =	vcvt.s32.f32 v1;
	_ =	sdelay $0x1  }
0x67: {  	[tilespmem:v2+s30+$0x0] =	vst.idx.msk $0xffff, v1  }
0x68: {  	v1 =	vld [tilespmem:$0xD20];
	_ =	sdelay $0x6  }
0x69: {  	v2 =	vld [tilespmem:$0xCA0]  }
0x6a: {  	v1 =	vld.idx.msk [tilespmem:v1+s16+$0x0], $0xffff;
	_ =	sdelay $0x4  }
0x6b: {  	v1 =	vcvt.s32.f32 v1;
	_ =	sdelay $0x1  }
0x6c: {  	[tilespmem:v2+s30+$0x0] =	vst.idx.msk $0xffff, v1  }
0x6d: {  	v1 =	vld [tilespmem:$0xD30];
	_ =	sdelay $0x6  }
0x6e: {  	v2 =	vld [tilespmem:$0xCB0]  }
0x6f: {  	v1 =	vld.idx.msk [tilespmem:v1+s16+$0x0], $0xffff;
	_ =	sdelay $0x4  }
0x70: {  	v1 =	vcvt.s32.f32 v1;
	_ =	sdelay $0x1  }
0x71: {  	s31 =	simm.s32 $0x0;
	[tilespmem:v2+s30+$0x0] =	vst.idx.msk $0xffff, v1  }
0x72: {  	v15 =	vld [tilespmem:s31+$0x0];
	_ =	sdelay $0x4  }
0x73: {  	v1 =	vand.u32 $0x7FFFFFFF, v15  }
0x74: {  	s9 =	simm.s32 $0x10;
	v1 =	vsub.f32 $0.0e+00, v1  }
0x75: {  	v7 =	vld [tilespmem:s9+$0x0]  }
0x76: {  	v1 =	vmul.f32 $1.442695020e+00, v1;
	_ =	sdelay $0x1  }
0x77: {  	(erf) = vpow2.f32 v1;
	_ =	sdelay $0x1  }
0x78: {  	v1 =	vand.u32 $0x7FFFFFFF, v7  }
0x79: {  	v1 =	vsub.f32 $0.0e+00, v1  }
0x7a: {  	s7 =	simm.s32 $0x20  }
0x7b: {  	v6 =	vld [tilespmem:s7+$0x0];
	v1 =	vmul.f32 $1.442695020e+00, v1;
	_ =	sdelay $0x1  }
0x7c: {  	(erf) = vpow2.f32 v1;
	_ =	sdelay $0x1  }
0x7d: {  	v1 =	vpop (erf)  }
0x7e: {  	v2 =	vand.u32 $0x7FFFFFFF, v6;
	v3 =	vadd.f32 $2.000000000e+00, v1  }
0x7f: {  	v2 =	vsub.f32 $0.0e+00, v2  }
0x80: {  	s4 =	simm.s32 $0x30;
	(erf) = vrcp.f32 v3  }
0x81: {  	v5 =	vld [tilespmem:s4+$0x0];
	v2 =	vmul.f32 $1.442695020e+00, v2;
	_ =	sdelay $0x1  }
0x82: {  	(erf) = vpow2.f32 v2  }
0x83: {  	v8 =	vpop (erf)  }
0x84: {  	v3 =	vadd.f32 $2.000000000e+00, v8  }
0x85: {  	v2 =	vand.u32 $0x7FFFFFFF, v5  }
0x86: {  	v2 =	vsub.f32 $0.0e+00, v2;
	_ =	sdelay $0x1  }
0x87: {  	s5 =	simm.s32 $0x40;
	v9 =	vmul.f32 $1.442695020e+00, v2;
	(erf) = vrcp.f32 v3;
	v3 =	vpop (erf)  }
0x88: {  	v2 =	vld [tilespmem:s5+$0x0];
	v4 =	vmul.f32 v3, v1  }
0x89: {  	(erf) = vpow2.f32 v9  }
0x8a: {  	v11 =	vpop (erf);
	v1 =	vmul.f32 v4, v4  }
0x8b: {  	v3 =	vadd.f32 $2.000000000e+00, v11  }
0x8c: {  	v9 =	vmul.f32 $2.857142980e-01, v1  }
0x8d: {  	(erf) = vrcp.f32 v3;
	v3 =	vand.u32 $0x7FFFFFFF, v2  }
0x8e: {  	v10 =	vsub.f32 $0.0e+00, v3;
	v9 =	vadd.f32 $4.000000060e-01, v9  }
0x8f: {  	s6 =	simm.s32 $0x50  }
0x90: {  	v3 =	vld [tilespmem:s6+$0x0];
	v12 =	vpop (erf);
	v13 =	vmul.f32 $1.442695020e+00, v10  }
0x91: {  	v8 =	vmul.f32 v12, v8;
	v12 =	vmul.f32 v9, v1  }
0x92: {  	v16 =	vld [tilespmem:s31+$0x200];
	v9 =	vpop (erf);
	(erf) = vpow2.f32 v13  }
0x93: {  	v10 =	vmul.f32 v8, v8;
	v12 =	vadd.f32 $6.666666860e-01, v12  }
0x94: {  	v13 =	vadd.f32 $2.000000000e+00, v9  }
0x95: {  	v14 =	vand.u32 $0x7FFFFFFF, v3;
	v17 =	vmul.f32 $2.857142980e-01, v10;
	v1 =	vmul.f32 v12, v1  }
0x96: {  	s8 =	simm.s32 $0x60;
	v18 =	vsub.f32 $0.0e+00, v14;
	(erf) = vrcp.f32 v13  }
0x97: {  	v14 =	vadd.f32 $4.000000060e-01, v17;
	v19 =	vpop (erf);
	v13 =	vmul.f32 v16, v15;
	v12 =	vadd.f32 $2.000000000e+00, v1;
	v1 =	vld [tilespmem:s8+$0x0]  }
0x98: {  	s3 =	sadd.s32 $0xC00, s3;
	s10 =	simm.s32 $0x1C0;
	v16 =	vmul.f32 $1.442695020e+00, v18;
	v11 =	vmul.f32 v19, v11;
	v15 =	vmax.f32 v15, $0.0e+00  }
.LBB2_1:
0x99: {  	p0 =	sne.s32 s10, $0x780;
	v14 =	vmul.f32 v14, v10;
	v12 =	vmul.f32 v12, v4;
	v13 =	vsub.f32 v15, v13;
	v17 =	vmovc v6  }
0x9a: {  	v6 =	vmovc v5;
	v5 =	vmovc v2;
	v2 =	vmov v3;
	v4 =	vmov v8;
	(erf) = vpow2.f32 v16;
	v15 =	vld [tilespmem:s9+$0x200];
	s9 =	smov.u32 s7;
	s7 =	smov.u32 s4;
	s4 =	smov.u32 s5  }
0x9b: {  	v16 =	vmul.f32 v11, v11;
	s5 =	smov.u32 s6;
	s6 =	smov.u32 s8;
	v18 =	vpop (erf);
	v14 =	vadd.f32 $6.666666860e-01, v14;
	v12 =	vadd.f32 v12, v13  }
.Ltmp0:
0x9c: {  	v8 =	vmovc v11;
	v13 =	vand.u32 $0x7FFFFFFF, v1;
	v21 =	vadd.f32 $2.000000000e+00, v18;
	v3 =	vmov v1;
	(pc) =	sbr.rel @p0 .LBB2_1-.Ltmp0, $4  }
0x9d: {  	v11 =	vmul.f32 $2.857142980e-01, v16;
	v20 =	vmul.f32 v14, v10;
	v0 =	vadd.f32 v12, v0;
	v10 =	vmovc v16  }
0x9e: {  	s8 =	sshra.s32 s10, $0x2;
	v16 =	vsub.f32 $0.0e+00, v13;
	(erf) = vrcp.f32 v21  }
0x9f: {  	v14 =	vadd.f32 $4.000000060e-01, v11;
	v1 =	vld [tilespmem:s8+$0x0];
	v19 =	vpop (erf);
	v12 =	vadd.f32 $2.000000000e+00, v20;
	v13 =	vmul.f32 v15, v7  }
0xa0: {  	s10 =	sadd.s32 $0x40, s10;
	v16 =	vmul.f32 $1.442695020e+00, v16;
	v15 =	vmax.f32 v7, $0.0e+00;
	v7 =	vmovc v17;
	v11 =	vmul.f32 v19, v9;
	v9 =	vmovc v18  }
0xa1: {  	_ =	sdelay $0x1  }
0xa2: {  	(erf) = vpow2.f32 v16  }
0xa3: {  	v50 =	vand.u32 $0x7FFFFFFF, v1  }
0xa4: {  	v17 =	vpop (erf);
	v16 =	vsub.f32 $0.0e+00, v50  }
0xa5: {  	v18 =	vadd.f32 $2.000000000e+00, v17  }
0xa6: {  	v16 =	vmul.f32 $1.442695020e+00, v16  }
0xa7: {  	(erf) = vrcp.f32 v18  }
0xa8: {  	v52 =	vld [tilespmem:s9+$0x200];
	(erf) = vpow2.f32 v16  }
0xa9: {  	v14 =	vmul.f32 v14, v10;
	v12 =	vmul.f32 v12, v4;
	v4 =	vld [tilespmem:$0x1E4]  }
0xaa: {  	v13 =	vsub.f32 v15, v13;
	v59 =	vmax.f32 v7, $0.0e+00;
	v33 =	vld [tilespmem:$0xC80];
	v20 =	vpop (erf)  }
0xab: {  	v27 =	vmax.f32 v6, $0.0e+00;
	v34 =	vld [tilespmem:$0xD00];
	v51 =	vmul.f32 v11, v11;
	v14 =	vadd.f32 $6.666666860e-01, v14;
	v54 =	vpop (erf)  }
0xac: {  	v39 =	vmax.f32 v5, $0.0e+00;
	v12 =	vadd.f32 v12, v13;
	v56 =	vadd.f32 $2.000000000e+00, v54  }
0xad: {  	v47 =	vmax.f32 v2, $0.0e+00;
	v19 =	vmul.f32 $2.857142980e-01, v51;
	v55 =	vmul.f32 v14, v10  }
0xae: {  	v0 =	vadd.f32 v12, v0;
	v9 =	vmul.f32 v20, v9;
	(erf) = vrcp.f32 v56  }
0xaf: {  	v58 =	vld [tilespmem:s7+$0x200];
	v53 =	vadd.f32 $4.000000060e-01, v19;
	v57 =	vmul.f32 v52, v7;
	v24 =	vand.u32 $0x7FFFFFFF, v4  }
0xb0: {  	v22 =	vadd.s32 $0x200, v33;
	v42 =	vadd.s32 $0x80, v34;
	v20 =	vmul.f32 v9, v9;
	v61 =	vpop (erf)  }
0xb1: {  	v38 =	vld [tilespmem:s6+$0x200];
	v10 =	vadd.f32 $2.000000000e+00, v55;
	v18 =	vsub.f32 $0.0e+00, v24;
	v15 =	vmul.f32 v53, v51;
	v63 =	vpop (erf)  }
0xb2: {  	v30 =	vld [tilespmem:s4+$0x200];
	v43 =	vadd.s32 $0x400, v33;
	v62 =	vmul.f32 $2.857142980e-01, v20;
	v23 =	vadd.f32 $2.000000000e+00, v63  }
0xb3: {  	v8 =	vmul.f32 v10, v8;
	v26 =	vmul.f32 $1.442695020e+00, v18;
	v60 =	vadd.f32 $6.666666860e-01, v15  }
0xb4: {  	v16 =	vmul.f32 v58, v6;
	v10 =	vadd.f32 $4.000000060e-01, v62;
	(erf) = vrcp.f32 v23  }
0xb5: {  	v7 =	vsub.f32 v59, v57;
	v12 =	vmul.f32 v60, v51;
	(erf) = vpow2.f32 v26  }
0xb6: {  	v24 =	vld [tilespmem:$0xD10];
	v57 =	vmax.f32 v3, $0.0e+00;
	v18 =	vmul.f32 v38, v3;
	v25 =	vmul.f32 v10, v20  }
0xb7: {  	v35 =	vld [tilespmem:s5+$0x200];
	v15 =	vmul.f32 v30, v5;
	v7 =	vadd.f32 v8, v7;
	v12 =	vadd.f32 $2.000000000e+00, v12;
	v32 =	vpop (erf)  }
0xb8: {  	v59 =	vld [tilespmem:$0xD20];
	v6 =	vsub.f32 v27, v16;
	v8 =	vadd.f32 $6.666666860e-01, v25;
	v10 =	vmul.f32 v32, v54  }
0xb9: {  	v3 =	vsub.f32 v57, v18;
	v14 =	vmul.f32 v61, v17;
	v28 =	vmul.f32 v12, v11  }
0xba: {  	v19 =	vld [tilespmem:s8+$0x200];
	v5 =	vsub.f32 v39, v15;
	v8 =	vmul.f32 v8, v20;
	v37 =	vmul.f32 v10, v10  }
0xbb: {  	s26 =	simm.s32 $0x480;
	v58 =	vld [tilespmem:$0xCA0];
	v55 =	vadd.s32 $0x80, v24;
	v0 =	vadd.f32 v7, v0;
	v29 =	vmul.f32 v14, v14  }
0xbc: {  	v16 =	vld.idx.msk [tilespmem:v33+s26+$0x0], $0xffff;
	v6 =	vadd.f32 v28, v6;
	v36 =	vadd.f32 $2.000000000e+00, v8;
	v40 =	vmul.f32 $2.857142980e-01, v37  }
0xbd: {  	v33 =	vld [tilespmem:$0xCB0];
	v38 =	vadd.s32 $0x100, v59;
	v17 =	vmul.f32 v35, v2;
	v31 =	vmul.f32 $2.857142980e-01, v29;
	v41 =	vpop (erf)  }
0xbe: {  	s28 =	simm.s32 $0xA80;
	v0 =	vadd.f32 v6, v0;
	v23 =	vld [tilespmem:$0xC90];
	v6 =	vmul.f32 v36, v9;
	v9 =	vadd.f32 $4.000000060e-01, v40;
	v25 =	vpop (erf)  }
0xbf: {  	v11 =	vld.idx.msk [tilespmem:v34+s28+$0x0], $0xffff;
	v7 =	vadd.f32 $4.000000060e-01, v31;
	v26 =	vadd.s32 $0x100, v34;
	v46 =	vadd.f32 $2.000000000e+00, v25  }
0xc0: {  	v56 =	vld.idx.msk [tilespmem:v24+s28+$0x0], $0xffff;
	v24 =	vadd.s32 $0x100, v24;
	v35 =	vadd.s32 $0x400, v58;
	v45 =	vmul.f32 v9, v37  }
0xc1: {  	v22 =	vld.idx.msk [tilespmem:v22+s26+$0x0], $0xffff;
	v2 =	vsub.f32 v47, v17;
	v7 =	vmul.f32 v7, v29;
	(erf) = vrcp.f32 v46  }
0xc2: {  	v48 =	vld.idx.msk [tilespmem:v42+s28+$0x0], $0xffff;
	v5 =	vadd.f32 v6, v5;
	v13 =	vmul.f32 v41, v63;
	v6 =	vadd.f32 $6.666666860e-01, v45  }
0xc3: {  	v15 =	vld.idx.msk [tilespmem:v43+s26+$0x0], $0xffff;
	v47 =	vadd.s32 $0x400, v33;
	v7 =	vadd.f32 $6.666666860e-01, v7;
	v52 =	vadd.s32 $0x200, v23  }
0xc4: {  	v62 =	vsub.f32 v16, v11;
	v51 =	vld.idx.msk [tilespmem:v26+s28+$0x0], $0xffff;
	v44 =	vmul.f32 v13, v13;
	v50 =	vmul.f32 v6, v37  }
0xc5: {  	v21 =	vld [tilespmem:$0x3E4];
	v31 =	vadd.s32 $0x200, v58;
	v7 =	vmul.f32 v7, v29;
	v0 =	vadd.f32 v5, v0  }
0xc6: {  	v54 =	vld.idx.msk [tilespmem:v23+s26+$0x0], $0xffff;
	v23 =	vadd.s32 $0x400, v23;
	v27 =	vmul.f32 $2.857142980e-01, v44;
	v5 =	vadd.f32 $2.000000000e+00, v50  }
0xc7: {  	v32 =	vadd.s32 $0x80, v59;
	v36 =	vld [tilespmem:$0xD30];
	v7 =	vadd.f32 $2.000000000e+00, v7;
	v9 =	vsub.f32 v22, v48  }
0xc8: {  	v40 =	vmul.f32 v19, v1;
	v61 =	vld.idx.msk [tilespmem:v52+s26+$0x0], $0xffff;
	v49 =	vadd.f32 $4.000000060e-01, v27;
	v5 =	vmul.f32 v5, v10  }
0xc9: {  	v63 =	vld.idx.msk [tilespmem:v55+s28+$0x0], $0xffff;
	v7 =	vmul.f32 v7, v14;
	v9 =	vand.u32 $0x7FFFFFFF, v9;
	v6 =	vsub.f32 v15, v51  }
0xca: {  	v30 =	vld.idx.msk [tilespmem:v24+s28+$0x0], $0xffff;
	v53 =	vmul.f32 v49, v44;
	v3 =	vadd.f32 v5, v3;
	v5 =	vand.u32 $0x7FFFFFFF, v62;
	v28 =	vpop (erf)  }
0xcb: {  	v2 =	vadd.f32 v7, v2;
	v29 =	vld.idx.msk [tilespmem:v23+s26+$0x0], $0xffff;
	v5 =	vadd.f32 v9, v5;
	v11 =	vmul.f32 v28, v25  }
0xcc: {  	v14 =	vsub.f32 v54, v56;
	v37 =	vld.idx.msk [tilespmem:v58+s26+$0x0], $0xffff;
	v6 =	vand.u32 $0x7FFFFFFF, v6;
	v7 =	vadd.f32 $6.666666860e-01, v53  }
0xcd: {  	v45 =	vadd.s32 $0x80, v36;
	v10 =	vld.idx.msk [tilespmem:v59+s28+$0x0], $0xffff;
	v5 =	vadd.f32 v6, v5;
	v34 =	vmul.f32 v11, v11  }
0xce: {  	v42 =	vld.idx.msk [tilespmem:v31+s26+$0x0], $0xffff;
	v41 =	vand.u32 $0x7FFFFFFF, v14;
	v60 =	vmul.f32 v7, v44;
	v7 =	vsub.f32 v61, v63  }
0xcf: {  	v43 =	vld.idx.msk [tilespmem:v32+s28+$0x0], $0xffff;
	v0 =	vadd.f32 v2, v0;
	v5 =	vadd.f32 v41, v5;
	v39 =	vmul.f32 $2.857142980e-01, v34  }
0xd0: {  	v46 =	vld.idx.msk [tilespmem:v38+s28+$0x0], $0xffff;
	v12 =	vsub.f32 v29, v30;
	v44 =	vadd.s32 $0x200, v33;
	v7 =	vand.u32 $0x7FFFFFFF, v7  }
0xd1: {  	v48 =	vadd.s32 $0x100, v36;
	v9 =	vld.idx.msk [tilespmem:v35+s26+$0x0], $0xffff;
	v5 =	vadd.f32 v7, v5;
	v6 =	vadd.f32 $4.000000060e-01, v39  }
0xd2: {  	v18 =	vld.idx.msk [tilespmem:v33+s26+$0x0], $0xffff;
	v49 =	vmax.f32 v1, $0.0e+00;
	v12 =	vand.u32 $0x7FFFFFFF, v12;
	v10 =	vsub.f32 v37, v10  }
0xd3: {  	v50 =	vld.idx.msk [tilespmem:v36+s28+$0x0], $0xffff;
	v2 =	vadd.f32 $2.000000000e+00, v60;
	v5 =	vadd.f32 v12, v5;
	v6 =	vmul.f32 v6, v34  }
0xd4: {  	v51 =	vsub.f32 v42, v43;
	v54 =	vld.idx.msk [tilespmem:v45+s28+$0x0], $0xffff;
	v1 =	vsub.f32 v49, v40;
	v10 =	vand.u32 $0x7FFFFFFF, v10  }
0xd5: {  	v2 =	vmul.f32 v2, v13;
	v52 =	vld.idx.msk [tilespmem:v44+s26+$0x0], $0xffff;
	v5 =	vadd.f32 v10, v5;
	v6 =	vadd.f32 $6.666666860e-01, v6  }
0xd6: {  	v57 =	vmul.f32 v21, v4;
	v56 =	vld.idx.msk [tilespmem:v47+s26+$0x0], $0xffff;
	v55 =	vand.u32 $0x7FFFFFFF, v51;
	v7 =	vsub.f32 v9, v46  }
0xd7: {  	v58 =	vld.idx.msk [tilespmem:v48+s28+$0x0], $0xffff;
	v1 =	vadd.f32 v2, v1;
	v2 =	vadd.f32 v55, v5;
	v53 =	vmul.f32 v6, v34  }
0xd8: {  	v59 =	vsub.f32 v18, v50;
	v0 =	vadd.f32 v3, v0;
	v7 =	vand.u32 $0x7FFFFFFF, v7  }
0xd9: {  	v4 =	vmax.f32 v4, $0.0e+00;
	v2 =	vadd.f32 v7, v2;
	v3 =	vadd.f32 $2.000000000e+00, v53  }
0xda: {  	v4 =	vsub.f32 v4, v57;
	v60 =	vand.u32 $0x7FFFFFFF, v59;
	v6 =	vsub.f32 v52, v54  }
0xdb: {  	v0 =	vadd.f32 v1, v0;
	v1 =	vadd.f32 v60, v2;
	v3 =	vmul.f32 v3, v11  }
0xdc: {  	v62 =	vsub.f32 v56, v58;
	v61 =	vand.u32 $0x7FFFFFFF, v6  }
0xdd: {  	v1 =	vadd.f32 v61, v1;
	v3 =	vadd.f32 v3, v4  }
0xde: {  	vm0 =	vmmov $0xfff;
	v63 =	vand.u32 $0x7FFFFFFF, v62  }
0xdf: {  	v1 =	vadd.f32 v63, v1;
	v3 =	vsel vm0, $0x0, v3  }
0xe0: {  	v0 =	vadd.f32 v3, v0  }
0xe1: {  	s29 =	sshll.u32 s2, $0x5;
	s4 =	simm.s32 $0x0;
	[tilespmem:$0xE00] =	vst v1  }
0xe2: {  	s31 =	simm.s32 $0xD80;
	s5 =	simm.s32 $0x2;
	s30 =	sadd.s32 s3, s29;
	[tilespmem:$0xD80] =	vst v0  }
0xe3: {  	[hbm4b:s30+s4] =	stream.linear.scatter [tilespmem:s31], [sflag:$0x2], $0x100, $0x38;
	[tilespmem:$0x1F00] =	vst v63  }
0xe4: {  	_ =	swait.ge [sflag:s5], $0x100  }
0xe5: {  	[sflag:s5] =	ssyncset.done $0x0  }
0xe6: {  	[sflag:s5] =	ssyncadd.s32 $0xFFFFFF00  }
0xe7: {  	p0 =	sne.s32 s2, $0x0;
	[bflag:$0x0] =	sbarrier.arrive $0xFFFF  }
0xe8: {  	_ =	sfence.sel @p0 $0x180000  }
0xe9: {  	[bflag:$0x0] =	sbarrier.arrive @p0 $0xFFFF  }
0xea: {  	_ =	strace @p0 $0x90000047  }
0xeb: {  	[bflag:$0x2] =	sbarrier.arrive @p0 $0xFFFF  }
0xec: {  	_ =	shalt @p0  }
.LBB2_3:
0xed: {  	s2 =	simm.s32 $0xE80  }
0xee: {  	[tilespmem:s2], [sflag:$0x2] =	stream.linear.gather [hbm4b:s3+s4], $0x1000, $0x38;
	[tilespmem:$0x1F00] =	vst v63  }
0xef: {  	_ =	swait.ge [sflag:s5], $0x1000  }
0xf0: {  	[sflag:s5] =	ssyncset.done $0x0  }
0xf1: {  	[sflag:s5] =	ssyncadd.s32 $0xFFFFF000  }
0xf2: {  	v0 =	vld [tilespmem:$0xE80]  }
0xf3: {  	v1 =	vld [tilespmem:$0xF00]  }
0xf4: {  	v2 =	vld [tilespmem:$0xF80]  }
0xf5: {  	v3 =	vld [tilespmem:$0x1000]  }
0xf6: {  	v4 =	vld [tilespmem:$0x1080]  }
0xf7: {  	v5 =	vld [tilespmem:$0x1100];
	v0 =	vadd.f32 $0.0e+00, v0  }
0xf8: {  	v6 =	vld [tilespmem:$0x1180]  }
0xf9: {  	v38 =	vld [tilespmem:$0x1200];
	v1 =	vadd.f32 $0.0e+00, v1;
	v0 =	vadd.f32 v2, v0  }
0xfa: {  	v7 =	vld [tilespmem:$0x1280]  }
0xfb: {  	v39 =	vld [tilespmem:$0x1300];
	v1 =	vadd.f32 v3, v1;
	v0 =	vadd.f32 v4, v0  }
0xfc: {  	v40 =	vld [tilespmem:$0x1380]  }
0xfd: {  	v41 =	vld [tilespmem:$0x1400];
	v1 =	vadd.f32 v5, v1;
	v0 =	vadd.f32 v6, v0  }
0xfe: {  	v42 =	vld [tilespmem:$0x1480]  }
0xff: {  	v43 =	vld [tilespmem:$0x1500];
	v1 =	vadd.f32 v38, v1;
	v0 =	vadd.f32 v7, v0  }
0x100: {  	v44 =	vld [tilespmem:$0x1580]  }
0x101: {  	v45 =	vld [tilespmem:$0x1600];
	v1 =	vadd.f32 v39, v1;
	v0 =	vadd.f32 v40, v0  }
0x102: {  	v46 =	vld [tilespmem:$0x1680]  }
0x103: {  	v47 =	vld [tilespmem:$0x1700];
	v1 =	vadd.f32 v41, v1;
	v0 =	vadd.f32 v42, v0  }
0x104: {  	v48 =	vld [tilespmem:$0x1780]  }
0x105: {  	v49 =	vld [tilespmem:$0x1800];
	v1 =	vadd.f32 v43, v1;
	v0 =	vadd.f32 v44, v0  }
0x106: {  	v50 =	vld [tilespmem:$0x1880]  }
0x107: {  	v51 =	vld [tilespmem:$0x1900];
	v1 =	vadd.f32 v45, v1;
	v0 =	vadd.f32 v46, v0  }
0x108: {  	v52 =	vld [tilespmem:$0x1980]  }
0x109: {  	v53 =	vld [tilespmem:$0x1A00];
	v1 =	vadd.f32 v47, v1;
	v0 =	vadd.f32 v48, v0  }
0x10a: {  	v54 =	vld [tilespmem:$0x1A80]  }
0x10b: {  	v55 =	vld [tilespmem:$0x1B00];
	v1 =	vadd.f32 v49, v1;
	v0 =	vadd.f32 v50, v0  }
0x10c: {  	v56 =	vld [tilespmem:$0x1B80]  }
0x10d: {  	v57 =	vld [tilespmem:$0x1C00];
	v1 =	vadd.f32 v51, v1;
	v0 =	vadd.f32 v52, v0  }
0x10e: {  	v58 =	vld [tilespmem:$0x1C80]  }
0x10f: {  	v59 =	vld [tilespmem:$0x1D00];
	v1 =	vadd.f32 v53, v1;
	v0 =	vadd.f32 v54, v0  }
0x110: {  	v60 =	vld [tilespmem:$0x1D80]  }
0x111: {  	v1 =	vadd.f32 v55, v1;
	v0 =	vadd.f32 v56, v0  }
0x112: {  	v61 =	vld [tilespmem:$0x1E00]  }
0x113: {  	v1 =	vadd.f32 v57, v1;
	v0 =	vadd.f32 v58, v0;
	_ =	sdelay $0x1  }
0x114: {  	v1 =	vadd.f32 v59, v1;
	v0 =	vadd.f32 v60, v0;
	_ =	sdelay $0x1  }
0x115: {  	v1 =	vadd.f32 v61, v1;
	(xrf2) =	vadd.scan.msk.f32 $0xffff, v0;
	_ =	sdelay $0x1  }
0x116: {  	(xrf2) =	vadd.scan.msk.f32 $0xffff, v1;
	_ =	sdelay $0x7  }
0x117: {  	v0, _, _ =	vpop (xrf2)  }
0x118: {  	(v2sf) =	vpush v0, $0xF  }
0x119: {  	v62, _, _ =	vpop (xrf2)  }
0x11a: {  	(v2sf) =	vpush v62, $0xF;
	_ =	sdelay $0xc  }
0x11b: {  	s29 =	spop (v2sf)  }
0x11c: {  	s2 =	smul.f32 $1.250000060e-04, s29  }
0x11d: {  	s30 =	spop (v2sf)  }
0x11e: {  	vm0 =	vcmask $0x300;
	s3 =	smul.f32 $9.765625000e-04, s30;
	v63 =	vmov s2  }
0x11f: {  	vm15 =	vcmask $0x704;
	v0 =	vnsel vm0, $0x0, v63  }
0x120: {  	v0 =	vsel vm15, s3, v0  }
0x121: {  	s31 =	simm.s32 $0x1E80;
	[tilespmem:$0x1E80] =	vst v0  }
0x122: {  	[hbm4b:s1+s4] =	stream.linear.scatter [tilespmem:s31], [sflag:$0x2], $0x80, $0x38;
	[tilespmem:$0x1F00] =	vst v63  }
0x123: {  	_ =	swait.ge [sflag:s5], $0x80  }
0x124: {  	[sflag:s5] =	ssyncset.done $0x0  }
0x125: {  	[sflag:s5] =	ssyncadd.s32 $0xFFFFFF80  }
0x126: {  	_ =	sfence.sel $0x180000  }
0x127: {  	[bflag:$0x0] =	sbarrier.arrive $0xFFFF  }
0x128: {  	_ =	strace $0x90000047  }
0x129: {  	s0 =	sadd.s32 $0x100000, s0;
	[bflag:$0x2] =	sbarrier.arrive $0xFFFF  }
0x12a: {  	[sflag:s0] =	ssyncadd.tile.s32 $0x1;
	_ =	shalt  }
.Lfunc_end2:
_tile_overlayer_lowered:
.L_overlay_start_2:
0x12b: {  	(tag) =	ssettag $0x2  }
0x12c: {  	s0 =	rddreg [dreg:$0x0];
	s2 =	stileid.u32  }
0x12d: {  	s1 =	rddreg [dreg:$0x1];
	p0 =	sne.s32 s2, $0x0  }
0x12e: {  	s3 =	rddreg [dreg:$0x2];
	[bflag:$0x3] =	sbarrier.arrive $0xFFFF;
	s2 =	simm.s32 @!p0 $0x1C02  }
0x12f: {  	[timem:s3], [sflag:s2] =	dma.local @!p0 [hbm:s0], s1  }
0x130: {  	s0 =	simm.s32 @!p0 $0x2  }
0x131: {  	_ =	swait.ge @!p0 [sflag:s0], s1  }
0x132: {  	s1 =	ssub.s32 @!p0 $0x0, s1;
	[sflag:s0] =	ssyncset.done @!p0 $0x0  }
0x133: {  	[sflag:s0] =	ssyncadd.s32 @!p0 s1  }
0x134: {  	[bflag:$0x3] =	sbarrier.arrive $0xFFFF  }
0x135: {  	_ =	shalt  }

</sc_bundles>
